<compile_context>
chip_gen: v7x
topology: tpu7x:2x2x1
jax: 0.10.2.dev20260603
libtpu: 0.0.44.dev20260713+nightly
codegen_flags: <defaults>
</compile_context>

<pallas_src>
import functools

import jax
import jax.numpy as jnp
from jax import lax
from jax.experimental import pallas as pl
from jax.experimental.pallas import tpu as pltpu
from jax.experimental.pallas import tpu_sc as plsc

_L = 16


@functools.lru_cache(maxsize=None)
def _make_row_gather(T, B, D, Vp):
    info = plsc.get_sparse_core_info()
    nc, ns = info.num_cores, info.num_subcores
    nw = nc * ns
    assert B == 128 * nw and D == 64 and T % 8 == 0
    mesh = plsc.VectorSubcoreMesh(core_axis_name="c", subcore_axis_name="s")

    @functools.partial(
        pl.kernel,
        out_type=jax.ShapeDtypeStruct((B * T, D), jnp.float32),
        mesh=mesh,
        scratch_types=[
            pltpu.VMEM((T, 128), jnp.int32),
            [pltpu.VMEM((T,), jnp.int32) for _ in range(2)],
            [pltpu.VMEM((T,), jnp.int32) for _ in range(2)],
            [pltpu.VMEM((T, 2 * D), jnp.float32) for _ in range(2)],
            [pltpu.VMEM((T, D), jnp.float32) for _ in range(2)],
            [pltpu.SemaphoreType.DMA for _ in range(2)],
            [pltpu.SemaphoreType.DMA for _ in range(2)],
        ],
        compiler_params=pltpu.CompilerParams(
            needs_layout_passes=False, disable_bounds_checks=True),
    )
    def row_kernel(tok_hbm, packed_hbm, out_hbm, itile, idx2, colbit, rows,
                   dst, gsems, ssems):
        wid = lax.axis_index("s") * nc + lax.axis_index("c")
        col0 = wid * 128
        iota = lax.iota(jnp.int32, _L)

        pltpu.sync_copy(tok_hbm.at[:, pl.ds(col0, 128)], itile)

        starts = list(range(0, T - _L + 1, _L))
        if starts[-1] != T - _L:
            starts.append(T - _L)

        def prep(b, p):
            bvec = iota * 0 + b
            for c0 in starts:
                v = plsc.load_gather(itile, [c0 + iota, bvec])
                idx2[p][pl.ds(c0, _L)] = lax.shift_right_logical(v, 1)
                colbit[p][pl.ds(c0, _L)] = (v & 1) * D

        def g_start(p):
            pltpu.async_copy(packed_hbm.at[idx2[p]], rows[p], gsems[p])

        def g_wait(p):
            pltpu.make_async_copy(
                packed_hbm.at[idx2[p]], rows[p], gsems[p]).wait()

        def s_start(b, p):
            pltpu.async_copy(
                dst[p], out_hbm.at[pl.ds((col0 + b) * T, T), :], ssems[p])

        def s_wait(b, p):
            pltpu.make_async_copy(
                dst[p], out_hbm.at[pl.ds((col0 + b) * T, T), :],
                ssems[p]).wait()

        def extract(p):
            @plsc.parallel_loop(0, T, step=1, unroll=8)
            def _(j):
                jv = iota * 0 + j
                cb = plsc.load_gather(colbit[p], [jv])
                for m in range(D // _L):
                    got = plsc.load_gather(rows[p], [jv, cb + m * _L + iota])
                    dst[p][j, pl.ds(m * _L, _L)] = got

        prep(0, 0)
        g_start(0)

        def body(o, carry):
            for par in (0, 1):
                b = 2 * o + par
                nxt = b + 1
                q = 1 - par

                @pl.when(nxt < 128)
                def _():
                    prep(nxt, q)

                    @pl.when(nxt >= 2)
                    def _():
                        s_wait(nxt - 2, q)

                    g_start(q)

                g_wait(par)
                extract(par)
                s_start(b, par)
            return carry

        lax.fori_loop(0, 64, body, 0)
        s_wait(126, 0)
        s_wait(127, 1)

    return row_kernel


def kernel(tokens, embed_weights):
    b, t = tokens.shape
    v, d = embed_weights.shape
    tok_t = tokens.T
    packed = embed_weights.reshape(v // 2, 2 * d)
    out2d = _make_row_gather(t, b, d, v // 2)(tok_t, packed)
    return out2d.reshape(b, t, d)

# --- scband reference (transcript-rebuilt; emitter-appended) ---
"""Pipeline reference for scband-embed-6854767805116 (READ-ONLY COPY).

The authoritative reference and input builder live on the scoring server;
editing this copy changes nothing except your own understanding.
"""

import jax, jax.numpy as jnp
import numpy as np

D_VOCAB = 1000000
D_MODEL = 64


def setup_inputs(seed: int = 0) -> dict:
    key = jax.random.key(seed)
    k_tok, k_w = jax.random.split(key)
    tokens = jax.random.randint(k_tok, (4096, 200), 0, D_VOCAB, dtype=jnp.int64 if jax.config.jax_enable_x64 else jnp.int32)
    # Xavier uniform init for embed weights: bound = sqrt(6 / (fan_in + fan_out))
    bound = float(np.sqrt(6.0 / (D_VOCAB + D_MODEL)))
    embed_weights = jax.random.uniform(k_w, (D_VOCAB, D_MODEL), dtype=jnp.float32, minval=-bound, maxval=bound)
    return {"tokens": tokens, "embed_weights": embed_weights}


def reference(tokens, embed_weights):
    # Faithful translation of Embed.forward: return self.embed_weights[tokens, :]
    return jnp.take(embed_weights, tokens, axis=0)

if __name__ == "__main__":
    import jax
    _d = setup_inputs()
    print(jax.jit(kernel)(*tuple(_d.values())))

</pallas_src>

<mosaic_0001>
#map = affine_map<(d0, d1) -> (0, 0)>
module attributes {stable_mosaic.version = 14 : i64} {
  func.func @row_kernel(%arg0: i32, %arg1: i32, %arg2: memref<200x4096xi32, #tpu.memory_space<hbm>>, %arg3: memref<500000x128xf32, #tpu.memory_space<hbm>>, %arg4: memref<819200x64xf32, #tpu.memory_space<hbm>>, %arg5: memref<200x128xi32, #tpu.memory_space<vmem>>, %arg6: memref<200xi32, #tpu.memory_space<vmem>>, %arg7: memref<200xi32, #tpu.memory_space<vmem>>, %arg8: memref<200xi32, #tpu.memory_space<vmem>>, %arg9: memref<200xi32, #tpu.memory_space<vmem>>, %arg10: memref<200x128xf32, #tpu.memory_space<vmem>>, %arg11: memref<200x128xf32, #tpu.memory_space<vmem>>, %arg12: memref<200x64xf32, #tpu.memory_space<vmem>>, %arg13: memref<200x64xf32, #tpu.memory_space<vmem>>, %arg14: memref<!tpu.dma_semaphore, #tpu.memory_space<semaphore_mem>>, %arg15: memref<!tpu.dma_semaphore, #tpu.memory_space<semaphore_mem>>, %arg16: memref<!tpu.dma_semaphore, #tpu.memory_space<semaphore_mem>>, %arg17: memref<!tpu.dma_semaphore, #tpu.memory_space<semaphore_mem>>) attributes {dimension_semantics = [#tpu.dimension_semantics<core_parallel>, #tpu.dimension_semantics<subcore_parallel>], iteration_bounds = array<i64: 2, 16>, scalar_prefetch = 0 : i64, scratch_operands = 13 : i64, tpu.core_type = #tpu.core_type<sc_vector_subcore>, window_params = [{transform_indices = #map}, {transform_indices = #map}, {transform_indices = #map}]} {
    %mul3A = arith.constant 2 : i32
    %mul3A_0 = arith.muli %arg1, %mul3A : i32
    %add3A = arith.addi %mul3A_0, %arg0 : i32
    %mul3A_1 = arith.constant 128 : i32
    %mul3A_2 = arith.muli %add3A, %mul3A_1 : i32
    %iota3A = tpu.iota {dimensions = array<i32: 0>} : vector<16xi32>
    "tpu.region"() ({
      %run_scoped3A = tpu.sem_alloc : memref<!tpu.dma_semaphore, #tpu.memory_space<semaphore_mem>>
      %dma_start3A_248 = arith.constant 0 : i32
      %dma_start3A_249 = tpu.memref_slice %arg2[%dma_start3A_248, %mul3A_2] : memref<200x4096xi32, #tpu.memory_space<hbm>> -> memref<200x128xi32, #tpu.memory_space<hbm>>
      %dma_start3A_250 = arith.constant 0 : i32
      %dma_start3A_251 = tpu.memref_slice %arg2[%dma_start3A_250, %mul3A_2] : memref<200x4096xi32, #tpu.memory_space<hbm>> -> memref<200x128xi32, #tpu.memory_space<hbm>>
      tpu.enqueue_dma source(%dma_start3A_251 : memref<200x128xi32, #tpu.memory_space<hbm>>) target(%arg5 : memref<200x128xi32, #tpu.memory_space<vmem>>) target_semaphore(%run_scoped3A : memref<!tpu.dma_semaphore, #tpu.memory_space<semaphore_mem>>)
      %dma_wait3A_252 = arith.constant 0 : i32
      %dma_wait3A_253 = tpu.memref_slice %arg2[%dma_wait3A_252, %mul3A_2] : memref<200x4096xi32, #tpu.memory_space<hbm>> -> memref<200x128xi32, #tpu.memory_space<hbm>>
      %dma_wait3A_254 = arith.constant 0 : i32
      %dma_wait3A_255 = tpu.memref_slice %arg2[%dma_wait3A_254, %mul3A_2] : memref<200x4096xi32, #tpu.memory_space<hbm>> -> memref<200x128xi32, #tpu.memory_space<hbm>>
      tpu.wait_dma2 semaphore(%run_scoped3A : memref<!tpu.dma_semaphore, #tpu.memory_space<semaphore_mem>>) src(%dma_wait3A_255 : memref<200x128xi32, #tpu.memory_space<hbm>>) dst(%arg5 : memref<200x128xi32, #tpu.memory_space<vmem>>)
      tpu.yield
    }) : () -> ()
    %mul3A_3 = arith.constant 0 : i32
    %mul3A_4 = vector.broadcast %mul3A_3 : i32 to vector<16xi32>
    %mul3A_5 = arith.muli %iota3A, %mul3A_4 : vector<16xi32>
    %add3A_6 = arith.constant 0 : i32
    %add3A_7 = vector.broadcast %add3A_6 : i32 to vector<16xi32>
    %add3A_8 = arith.addi %mul3A_5, %add3A_7 : vector<16xi32>
    %add3A_9 = arith.constant 0 : i32
    %add3A_10 = vector.broadcast %add3A_9 : i32 to vector<16xi32>
    %add3A_11 = arith.addi %add3A_10, %iota3A : vector<16xi32>
    %gather3A = tpu.vector_load_idx %arg5[%add3A_11, %add3A_8] : memref<200x128xi32, #tpu.memory_space<vmem>>[vector<16xi32>, vector<16xi32>], vector<16xi32>,
    %shift_right_logical3A = arith.constant 1 : i32
    %shift_right_logical3A_12 = vector.broadcast %shift_right_logical3A : i32 to vector<16xi32>
    %shift_right_logical3A_13 = arith.shrui %gather3A, %shift_right_logical3A_12 : vector<16xi32>
    %swap3A = arith.constant 0 : index
    %swap3A_14 = tpu.vector_load %arg6[%swap3A] {strides = array<i32>} : memref<200xi32, #tpu.memory_space<vmem>>, vector<16xi32>,
    tpu.vector_store %arg6[%swap3A], %shift_right_logical3A_13 {strides = array<i32>} : memref<200xi32, #tpu.memory_space<vmem>>, vector<16xi32>,
    %and3A = arith.constant 1 : i32
    %and3A_15 = vector.broadcast %and3A : i32 to vector<16xi32>
    %and3A_16 = arith.andi %gather3A, %and3A_15 : vector<16xi32>
    %mul3A_17 = arith.constant 64 : i32
    %mul3A_18 = vector.broadcast %mul3A_17 : i32 to vector<16xi32>
    %mul3A_19 = arith.muli %and3A_16, %mul3A_18 : vector<16xi32>
    %swap3A_20 = arith.constant 0 : index
    %swap3A_21 = tpu.vector_load %arg8[%swap3A_20] {strides = array<i32>} : memref<200xi32, #tpu.memory_space<vmem>>, vector<16xi32>,
    tpu.vector_store %arg8[%swap3A_20], %mul3A_19 {strides = array<i32>} : memref<200xi32, #tpu.memory_space<vmem>>, vector<16xi32>,
    %add3A_22 = arith.constant 16 : i32
    %add3A_23 = vector.broadcast %add3A_22 : i32 to vector<16xi32>
    %add3A_24 = arith.addi %add3A_23, %iota3A : vector<16xi32>
    %gather3A_25 = tpu.vector_load_idx %arg5[%add3A_24, %add3A_8] : memref<200x128xi32, #tpu.memory_space<vmem>>[vector<16xi32>, vector<16xi32>], vector<16xi32>,
    %shift_right_logical3A_26 = arith.constant 1 : i32
    %shift_right_logical3A_27 = vector.broadcast %shift_right_logical3A_26 : i32 to vector<16xi32>
    %shift_right_logical3A_28 = arith.shrui %gather3A_25, %shift_right_logical3A_27 : vector<16xi32>
    %swap3A_29 = arith.constant 16 : index
    %swap3A_30 = tpu.vector_load %arg6[%swap3A_29] {strides = array<i32>} : memref<200xi32, #tpu.memory_space<vmem>>, vector<16xi32>,
    tpu.vector_store %arg6[%swap3A_29], %shift_right_logical3A_28 {strides = array<i32>} : memref<200xi32, #tpu.memory_space<vmem>>, vector<16xi32>,
    %and3A_31 = arith.constant 1 : i32
    %and3A_32 = vector.broadcast %and3A_31 : i32 to vector<16xi32>
    %and3A_33 = arith.andi %gather3A_25, %and3A_32 : vector<16xi32>
    %mul3A_34 = arith.constant 64 : i32
    %mul3A_35 = vector.broadcast %mul3A_34 : i32 to vector<16xi32>
    %mul3A_36 = arith.muli %and3A_33, %mul3A_35 : vector<16xi32>
    %swap3A_37 = arith.constant 16 : index
    %swap3A_38 = tpu.vector_load %arg8[%swap3A_37] {strides = array<i32>} : memref<200xi32, #tpu.memory_space<vmem>>, vector<16xi32>,
    tpu.vector_store %arg8[%swap3A_37], %mul3A_36 {strides = array<i32>} : memref<200xi32, #tpu.memory_space<vmem>>, vector<16xi32>,
    %add3A_39 = arith.constant 32 : i32
    %add3A_40 = vector.broadcast %add3A_39 : i32 to vector<16xi32>
    %add3A_41 = arith.addi %add3A_40, %iota3A : vector<16xi32>
    %gather3A_42 = tpu.vector_load_idx %arg5[%add3A_41, %add3A_8] : memref<200x128xi32, #tpu.memory_space<vmem>>[vector<16xi32>, vector<16xi32>], vector<16xi32>,
    %shift_right_logical3A_43 = arith.constant 1 : i32
    %shift_right_logical3A_44 = vector.broadcast %shift_right_logical3A_43 : i32 to vector<16xi32>
    %shift_right_logical3A_45 = arith.shrui %gather3A_42, %shift_right_logical3A_44 : vector<16xi32>
    %swap3A_46 = arith.constant 32 : index
    %swap3A_47 = tpu.vector_load %arg6[%swap3A_46] {strides = array<i32>} : memref<200xi32, #tpu.memory_space<vmem>>, vector<16xi32>,
    tpu.vector_store %arg6[%swap3A_46], %shift_right_logical3A_45 {strides = array<i32>} : memref<200xi32, #tpu.memory_space<vmem>>, vector<16xi32>,
    %and3A_48 = arith.constant 1 : i32
    %and3A_49 = vector.broadcast %and3A_48 : i32 to vector<16xi32>
    %and3A_50 = arith.andi %gather3A_42, %and3A_49 : vector<16xi32>
    %mul3A_51 = arith.constant 64 : i32
    %mul3A_52 = vector.broadcast %mul3A_51 : i32 to vector<16xi32>
    %mul3A_53 = arith.muli %and3A_50, %mul3A_52 : vector<16xi32>
    %swap3A_54 = arith.constant 32 : index
    %swap3A_55 = tpu.vector_load %arg8[%swap3A_54] {strides = array<i32>} : memref<200xi32, #tpu.memory_space<vmem>>, vector<16xi32>,
    tpu.vector_store %arg8[%swap3A_54], %mul3A_53 {strides = array<i32>} : memref<200xi32, #tpu.memory_space<vmem>>, vector<16xi32>,
    %add3A_56 = arith.constant 48 : i32
    %add3A_57 = vector.broadcast %add3A_56 : i32 to vector<16xi32>
    %add3A_58 = arith.addi %add3A_57, %iota3A : vector<16xi32>
    %gather3A_59 = tpu.vector_load_idx %arg5[%add3A_58, %add3A_8] : memref<200x128xi32, #tpu.memory_space<vmem>>[vector<16xi32>, vector<16xi32>], vector<16xi32>,
    %shift_right_logical3A_60 = arith.constant 1 : i32
    %shift_right_logical3A_61 = vector.broadcast %shift_right_logical3A_60 : i32 to vector<16xi32>
    %shift_right_logical3A_62 = arith.shrui %gather3A_59, %shift_right_logical3A_61 : vector<16xi32>
    %swap3A_63 = arith.constant 48 : index
    %swap3A_64 = tpu.vector_load %arg6[%swap3A_63] {strides = array<i32>} : memref<200xi32, #tpu.memory_space<vmem>>, vector<16xi32>,
    tpu.vector_store %arg6[%swap3A_63], %shift_right_logical3A_62 {strides = array<i32>} : memref<200xi32, #tpu.memory_space<vmem>>, vector<16xi32>,
    %and3A_65 = arith.constant 1 : i32
    %and3A_66 = vector.broadcast %and3A_65 : i32 to vector<16xi32>
    %and3A_67 = arith.andi %gather3A_59, %and3A_66 : vector<16xi32>
    %mul3A_68 = arith.constant 64 : i32
    %mul3A_69 = vector.broadcast %mul3A_68 : i32 to vector<16xi32>
    %mul3A_70 = arith.muli %and3A_67, %mul3A_69 : vector<16xi32>
    %swap3A_71 = arith.constant 48 : index
    %swap3A_72 = tpu.vector_load %arg8[%swap3A_71] {strides = array<i32>} : memref<200xi32, #tpu.memory_space<vmem>>, vector<16xi32>,
    tpu.vector_store %arg8[%swap3A_71], %mul3A_70 {strides = array<i32>} : memref<200xi32, #tpu.memory_space<vmem>>, vector<16xi32>,
    %add3A_73 = arith.constant 64 : i32
    %add3A_74 = vector.broadcast %add3A_73 : i32 to vector<16xi32>
    %add3A_75 = arith.addi %add3A_74, %iota3A : vector<16xi32>
    %gather3A_76 = tpu.vector_load_idx %arg5[%add3A_75, %add3A_8] : memref<200x128xi32, #tpu.memory_space<vmem>>[vector<16xi32>, vector<16xi32>], vector<16xi32>,
    %shift_right_logical3A_77 = arith.constant 1 : i32
    %shift_right_logical3A_78 = vector.broadcast %shift_right_logical3A_77 : i32 to vector<16xi32>
    %shift_right_logical3A_79 = arith.shrui %gather3A_76, %shift_right_logical3A_78 : vector<16xi32>
    %swap3A_80 = arith.constant 64 : index
    %swap3A_81 = tpu.vector_load %arg6[%swap3A_80] {strides = array<i32>} : memref<200xi32, #tpu.memory_space<vmem>>, vector<16xi32>,
    tpu.vector_store %arg6[%swap3A_80], %shift_right_logical3A_79 {strides = array<i32>} : memref<200xi32, #tpu.memory_space<vmem>>, vector<16xi32>,
    %and3A_82 = arith.constant 1 : i32
    %and3A_83 = vector.broadcast %and3A_82 : i32 to vector<16xi32>
    %and3A_84 = arith.andi %gather3A_76, %and3A_83 : vector<16xi32>
    %mul3A_85 = arith.constant 64 : i32
    %mul3A_86 = vector.broadcast %mul3A_85 : i32 to vector<16xi32>
    %mul3A_87 = arith.muli %and3A_84, %mul3A_86 : vector<16xi32>
    %swap3A_88 = arith.constant 64 : index
    %swap3A_89 = tpu.vector_load %arg8[%swap3A_88] {strides = array<i32>} : memref<200xi32, #tpu.memory_space<vmem>>, vector<16xi32>,
    tpu.vector_store %arg8[%swap3A_88], %mul3A_87 {strides = array<i32>} : memref<200xi32, #tpu.memory_space<vmem>>, vector<16xi32>,
    %add3A_90 = arith.constant 80 : i32
    %add3A_91 = vector.broadcast %add3A_90 : i32 to vector<16xi32>
    %add3A_92 = arith.addi %add3A_91, %iota3A : vector<16xi32>
    %gather3A_93 = tpu.vector_load_idx %arg5[%add3A_92, %add3A_8] : memref<200x128xi32, #tpu.memory_space<vmem>>[vector<16xi32>, vector<16xi32>], vector<16xi32>,
    %shift_right_logical3A_94 = arith.constant 1 : i32
    %shift_right_logical3A_95 = vector.broadcast %shift_right_logical3A_94 : i32 to vector<16xi32>
    %shift_right_logical3A_96 = arith.shrui %gather3A_93, %shift_right_logical3A_95 : vector<16xi32>
    %swap3A_97 = arith.constant 80 : index
    %swap3A_98 = tpu.vector_load %arg6[%swap3A_97] {strides = array<i32>} : memref<200xi32, #tpu.memory_space<vmem>>, vector<16xi32>,
    tpu.vector_store %arg6[%swap3A_97], %shift_right_logical3A_96 {strides = array<i32>} : memref<200xi32, #tpu.memory_space<vmem>>, vector<16xi32>,
    %and3A_99 = arith.constant 1 : i32
    %and3A_100 = vector.broadcast %and3A_99 : i32 to vector<16xi32>
    %and3A_101 = arith.andi %gather3A_93, %and3A_100 : vector<16xi32>
    %mul3A_102 = arith.constant 64 : i32
    %mul3A_103 = vector.broadcast %mul3A_102 : i32 to vector<16xi32>
    %mul3A_104 = arith.muli %and3A_101, %mul3A_103 : vector<16xi32>
    %swap3A_105 = arith.constant 80 : index
    %swap3A_106 = tpu.vector_load %arg8[%swap3A_105] {strides = array<i32>} : memref<200xi32, #tpu.memory_space<vmem>>, vector<16xi32>,
    tpu.vector_store %arg8[%swap3A_105], %mul3A_104 {strides = array<i32>} : memref<200xi32, #tpu.memory_space<vmem>>, vector<16xi32>,
    %add3A_107 = arith.constant 96 : i32
    %add3A_108 = vector.broadcast %add3A_107 : i32 to vector<16xi32>
    %add3A_109 = arith.addi %add3A_108, %iota3A : vector<16xi32>
    %gather3A_110 = tpu.vector_load_idx %arg5[%add3A_109, %add3A_8] : memref<200x128xi32, #tpu.memory_space<vmem>>[vector<16xi32>, vector<16xi32>], vector<16xi32>,
    %shift_right_logical3A_111 = arith.constant 1 : i32
    %shift_right_logical3A_112 = vector.broadcast %shift_right_logical3A_111 : i32 to vector<16xi32>
    %shift_right_logical3A_113 = arith.shrui %gather3A_110, %shift_right_logical3A_112 : vector<16xi32>
    %swap3A_114 = arith.constant 96 : index
    %swap3A_115 = tpu.vector_load %arg6[%swap3A_114] {strides = array<i32>} : memref<200xi32, #tpu.memory_space<vmem>>, vector<16xi32>,
    tpu.vector_store %arg6[%swap3A_114], %shift_right_logical3A_113 {strides = array<i32>} : memref<200xi32, #tpu.memory_space<vmem>>, vector<16xi32>,
    %and3A_116 = arith.constant 1 : i32
    %and3A_117 = vector.broadcast %and3A_116 : i32 to vector<16xi32>
    %and3A_118 = arith.andi %gather3A_110, %and3A_117 : vector<16xi32>
    %mul3A_119 = arith.constant 64 : i32
    %mul3A_120 = vector.broadcast %mul3A_119 : i32 to vector<16xi32>
    %mul3A_121 = arith.muli %and3A_118, %mul3A_120 : vector<16xi32>
    %swap3A_122 = arith.constant 96 : index
    %swap3A_123 = tpu.vector_load %arg8[%swap3A_122] {strides = array<i32>} : memref<200xi32, #tpu.memory_space<vmem>>, vector<16xi32>,
    tpu.vector_store %arg8[%swap3A_122], %mul3A_121 {strides = array<i32>} : memref<200xi32, #tpu.memory_space<vmem>>, vector<16xi32>,
    %add3A_124 = arith.constant 112 : i32
    %add3A_125 = vector.broadcast %add3A_124 : i32 to vector<16xi32>
    %add3A_126 = arith.addi %add3A_125, %iota3A : vector<16xi32>
    %gather3A_127 = tpu.vector_load_idx %arg5[%add3A_126, %add3A_8] : memref<200x128xi32, #tpu.memory_space<vmem>>[vector<16xi32>, vector<16xi32>], vector<16xi32>,
    %shift_right_logical3A_128 = arith.constant 1 : i32
    %shift_right_logical3A_129 = vector.broadcast %shift_right_logical3A_128 : i32 to vector<16xi32>
    %shift_right_logical3A_130 = arith.shrui %gather3A_127, %shift_right_logical3A_129 : vector<16xi32>
    %swap3A_131 = arith.constant 112 : index
    %swap3A_132 = tpu.vector_load %arg6[%swap3A_131] {strides = array<i32>} : memref<200xi32, #tpu.memory_space<vmem>>, vector<16xi32>,
    tpu.vector_store %arg6[%swap3A_131], %shift_right_logical3A_130 {strides = array<i32>} : memref<200xi32, #tpu.memory_space<vmem>>, vector<16xi32>,
    %and3A_133 = arith.constant 1 : i32
    %and3A_134 = vector.broadcast %and3A_133 : i32 to vector<16xi32>
    %and3A_135 = arith.andi %gather3A_127, %and3A_134 : vector<16xi32>
    %mul3A_136 = arith.constant 64 : i32
    %mul3A_137 = vector.broadcast %mul3A_136 : i32 to vector<16xi32>
    %mul3A_138 = arith.muli %and3A_135, %mul3A_137 : vector<16xi32>
    %swap3A_139 = arith.constant 112 : index
    %swap3A_140 = tpu.vector_load %arg8[%swap3A_139] {strides = array<i32>} : memref<200xi32, #tpu.memory_space<vmem>>, vector<16xi32>,
    tpu.vector_store %arg8[%swap3A_139], %mul3A_138 {strides = array<i32>} : memref<200xi32, #tpu.memory_space<vmem>>, vector<16xi32>,
    %add3A_141 = arith.constant 128 : i32
    %add3A_142 = vector.broadcast %add3A_141 : i32 to vector<16xi32>
    %add3A_143 = arith.addi %add3A_142, %iota3A : vector<16xi32>
    %gather3A_144 = tpu.vector_load_idx %arg5[%add3A_143, %add3A_8] : memref<200x128xi32, #tpu.memory_space<vmem>>[vector<16xi32>, vector<16xi32>], vector<16xi32>,
    %shift_right_logical3A_145 = arith.constant 1 : i32
    %shift_right_logical3A_146 = vector.broadcast %shift_right_logical3A_145 : i32 to vector<16xi32>
    %shift_right_logical3A_147 = arith.shrui %gather3A_144, %shift_right_logical3A_146 : vector<16xi32>
    %swap3A_148 = arith.constant 128 : index
    %swap3A_149 = tpu.vector_load %arg6[%swap3A_148] {strides = array<i32>} : memref<200xi32, #tpu.memory_space<vmem>>, vector<16xi32>,
    tpu.vector_store %arg6[%swap3A_148], %shift_right_logical3A_147 {strides = array<i32>} : memref<200xi32, #tpu.memory_space<vmem>>, vector<16xi32>,
    %and3A_150 = arith.constant 1 : i32
    %and3A_151 = vector.broadcast %and3A_150 : i32 to vector<16xi32>
    %and3A_152 = arith.andi %gather3A_144, %and3A_151 : vector<16xi32>
    %mul3A_153 = arith.constant 64 : i32
    %mul3A_154 = vector.broadcast %mul3A_153 : i32 to vector<16xi32>
    %mul3A_155 = arith.muli %and3A_152, %mul3A_154 : vector<16xi32>
    %swap3A_156 = arith.constant 128 : index
    %swap3A_157 = tpu.vector_load %arg8[%swap3A_156] {strides = array<i32>} : memref<200xi32, #tpu.memory_space<vmem>>, vector<16xi32>,
    tpu.vector_store %arg8[%swap3A_156], %mul3A_155 {strides = array<i32>} : memref<200xi32, #tpu.memory_space<vmem>>, vector<16xi32>,
    %add3A_158 = arith.constant 144 : i32
    %add3A_159 = vector.broadcast %add3A_158 : i32 to vector<16xi32>
    %add3A_160 = arith.addi %add3A_159, %iota3A : vector<16xi32>
    %gather3A_161 = tpu.vector_load_idx %arg5[%add3A_160, %add3A_8] : memref<200x128xi32, #tpu.memory_space<vmem>>[vector<16xi32>, vector<16xi32>], vector<16xi32>,
    %shift_right_logical3A_162 = arith.constant 1 : i32
    %shift_right_logical3A_163 = vector.broadcast %shift_right_logical3A_162 : i32 to vector<16xi32>
    %shift_right_logical3A_164 = arith.shrui %gather3A_161, %shift_right_logical3A_163 : vector<16xi32>
    %swap3A_165 = arith.constant 144 : index
    %swap3A_166 = tpu.vector_load %arg6[%swap3A_165] {strides = array<i32>} : memref<200xi32, #tpu.memory_space<vmem>>, vector<16xi32>,
    tpu.vector_store %arg6[%swap3A_165], %shift_right_logical3A_164 {strides = array<i32>} : memref<200xi32, #tpu.memory_space<vmem>>, vector<16xi32>,
    %and3A_167 = arith.constant 1 : i32
    %and3A_168 = vector.broadcast %and3A_167 : i32 to vector<16xi32>
    %and3A_169 = arith.andi %gather3A_161, %and3A_168 : vector<16xi32>
    %mul3A_170 = arith.constant 64 : i32
    %mul3A_171 = vector.broadcast %mul3A_170 : i32 to vector<16xi32>
    %mul3A_172 = arith.muli %and3A_169, %mul3A_171 : vector<16xi32>
    %swap3A_173 = arith.constant 144 : index
    %swap3A_174 = tpu.vector_load %arg8[%swap3A_173] {strides = array<i32>} : memref<200xi32, #tpu.memory_space<vmem>>, vector<16xi32>,
    tpu.vector_store %arg8[%swap3A_173], %mul3A_172 {strides = array<i32>} : memref<200xi32, #tpu.memory_space<vmem>>, vector<16xi32>,
    %add3A_175 = arith.constant 160 : i32
    %add3A_176 = vector.broadcast %add3A_175 : i32 to vector<16xi32>
    %add3A_177 = arith.addi %add3A_176, %iota3A : vector<16xi32>
    %gather3A_178 = tpu.vector_load_idx %arg5[%add3A_177, %add3A_8] : memref<200x128xi32, #tpu.memory_space<vmem>>[vector<16xi32>, vector<16xi32>], vector<16xi32>,
    %shift_right_logical3A_179 = arith.constant 1 : i32
    %shift_right_logical3A_180 = vector.broadcast %shift_right_logical3A_179 : i32 to vector<16xi32>
    %shift_right_logical3A_181 = arith.shrui %gather3A_178, %shift_right_logical3A_180 : vector<16xi32>
    %swap3A_182 = arith.constant 160 : index
    %swap3A_183 = tpu.vector_load %arg6[%swap3A_182] {strides = array<i32>} : memref<200xi32, #tpu.memory_space<vmem>>, vector<16xi32>,
    tpu.vector_store %arg6[%swap3A_182], %shift_right_logical3A_181 {strides = array<i32>} : memref<200xi32, #tpu.memory_space<vmem>>, vector<16xi32>,
    %and3A_184 = arith.constant 1 : i32
    %and3A_185 = vector.broadcast %and3A_184 : i32 to vector<16xi32>
    %and3A_186 = arith.andi %gather3A_178, %and3A_185 : vector<16xi32>
    %mul3A_187 = arith.constant 64 : i32
    %mul3A_188 = vector.broadcast %mul3A_187 : i32 to vector<16xi32>
    %mul3A_189 = arith.muli %and3A_186, %mul3A_188 : vector<16xi32>
    %swap3A_190 = arith.constant 160 : index
    %swap3A_191 = tpu.vector_load %arg8[%swap3A_190] {strides = array<i32>} : memref<200xi32, #tpu.memory_space<vmem>>, vector<16xi32>,
    tpu.vector_store %arg8[%swap3A_190], %mul3A_189 {strides = array<i32>} : memref<200xi32, #tpu.memory_space<vmem>>, vector<16xi32>,
    %add3A_192 = arith.constant 176 : i32
    %add3A_193 = vector.broadcast %add3A_192 : i32 to vector<16xi32>
    %add3A_194 = arith.addi %add3A_193, %iota3A : vector<16xi32>
    %gather3A_195 = tpu.vector_load_idx %arg5[%add3A_194, %add3A_8] : memref<200x128xi32, #tpu.memory_space<vmem>>[vector<16xi32>, vector<16xi32>], vector<16xi32>,
    %shift_right_logical3A_196 = arith.constant 1 : i32
    %shift_right_logical3A_197 = vector.broadcast %shift_right_logical3A_196 : i32 to vector<16xi32>
    %shift_right_logical3A_198 = arith.shrui %gather3A_195, %shift_right_logical3A_197 : vector<16xi32>
    %swap3A_199 = arith.constant 176 : index
    %swap3A_200 = tpu.vector_load %arg6[%swap3A_199] {strides = array<i32>} : memref<200xi32, #tpu.memory_space<vmem>>, vector<16xi32>,
    tpu.vector_store %arg6[%swap3A_199], %shift_right_logical3A_198 {strides = array<i32>} : memref<200xi32, #tpu.memory_space<vmem>>, vector<16xi32>,
    %and3A_201 = arith.constant 1 : i32
    %and3A_202 = vector.broadcast %and3A_201 : i32 to vector<16xi32>
    %and3A_203 = arith.andi %gather3A_195, %and3A_202 : vector<16xi32>
    %mul3A_204 = arith.constant 64 : i32
    %mul3A_205 = vector.broadcast %mul3A_204 : i32 to vector<16xi32>
    %mul3A_206 = arith.muli %and3A_203, %mul3A_205 : vector<16xi32>
    %swap3A_207 = arith.constant 176 : index
    %swap3A_208 = tpu.vector_load %arg8[%swap3A_207] {strides = array<i32>} : memref<200xi32, #tpu.memory_space<vmem>>, vector<16xi32>,
    tpu.vector_store %arg8[%swap3A_207], %mul3A_206 {strides = array<i32>} : memref<200xi32, #tpu.memory_space<vmem>>, vector<16xi32>,
    %add3A_209 = arith.constant 184 : i32
    %add3A_210 = vector.broadcast %add3A_209 : i32 to vector<16xi32>
    %add3A_211 = arith.addi %add3A_210, %iota3A : vector<16xi32>
    %gather3A_212 = tpu.vector_load_idx %arg5[%add3A_211, %add3A_8] : memref<200x128xi32, #tpu.memory_space<vmem>>[vector<16xi32>, vector<16xi32>], vector<16xi32>,
    %shift_right_logical3A_213 = arith.constant 1 : i32
    %shift_right_logical3A_214 = vector.broadcast %shift_right_logical3A_213 : i32 to vector<16xi32>
    %shift_right_logical3A_215 = arith.shrui %gather3A_212, %shift_right_logical3A_214 : vector<16xi32>
    %swap3A_216 = arith.constant 184 : index
    %swap3A_217 = tpu.vector_load %arg6[%swap3A_216] {strides = array<i32>} : memref<200xi32, #tpu.memory_space<vmem>>, vector<16xi32>,
    tpu.vector_store %arg6[%swap3A_216], %shift_right_logical3A_215 {strides = array<i32>} : memref<200xi32, #tpu.memory_space<vmem>>, vector<16xi32>,
    %and3A_218 = arith.constant 1 : i32
    %and3A_219 = vector.broadcast %and3A_218 : i32 to vector<16xi32>
    %and3A_220 = arith.andi %gather3A_212, %and3A_219 : vector<16xi32>
    %mul3A_221 = arith.constant 64 : i32
    %mul3A_222 = vector.broadcast %mul3A_221 : i32 to vector<16xi32>
    %mul3A_223 = arith.muli %and3A_220, %mul3A_222 : vector<16xi32>
    %swap3A_224 = arith.constant 184 : index
    %swap3A_225 = tpu.vector_load %arg8[%swap3A_224] {strides = array<i32>} : memref<200xi32, #tpu.memory_space<vmem>>, vector<16xi32>,
    tpu.vector_store %arg8[%swap3A_224], %mul3A_223 {strides = array<i32>} : memref<200xi32, #tpu.memory_space<vmem>>, vector<16xi32>,
    %dma_start3A = arith.constant 0 : i32
    %dma_start3A_226 = arith.constant 0 : i32
    %dma_start3A_227 = tpu.memref_slice %arg3[%dma_start3A, %dma_start3A_226] : memref<500000x128xf32, #tpu.memory_space<hbm>> -> memref<500000x128xf32, #tpu.memory_space<hbm>>
    tpu.enqueue_indirect_dma source(%dma_start3A_227 : memref<500000x128xf32, #tpu.memory_space<hbm>>) target(%arg10 : memref<200x128xf32, #tpu.memory_space<vmem>>) offsets(%arg6 : memref<200xi32, #tpu.memory_space<vmem>>) semaphore(%arg14 : memref<!tpu.dma_semaphore, #tpu.memory_space<semaphore_mem>>)
    %scan3A = arith.constant 0 : i32
    %scan3A_228 = arith.constant 0 : i32
    %scan3A_229 = arith.constant 64 : i32
    %scan3A_230 = arith.addi %scan3A_228, %scan3A_229 : i32
    %scan3A_231 = arith.constant 1 : i32
    scf.for %scan3A_248 = %scan3A_228 to %scan3A_230 step %scan3A_231  : i32 {
      %mul3A_249 = arith.constant 2 : i32
      %mul3A_250 = arith.muli %mul3A_249, %scan3A_248 : i32
      %add3A_251 = arith.constant 0 : i32
      %add3A_252 = arith.addi %mul3A_250, %add3A_251 : i32
      %add3A_253 = arith.constant 1 : i32
      %add3A_254 = arith.addi %add3A_252, %add3A_253 : i32
      %lt3A = arith.constant 128 : i32
      %lt3A_255 = arith.cmpi slt, %add3A_254, %lt3A : i32
      %convert_element_type3A = arith.extui %lt3A_255 : i1 to i32
      %cond3A = arith.constant 0 : i32
      %cond3A_256 = arith.cmpi ne, %convert_element_type3A, %cond3A : i32
      scf.if %cond3A_256 {
        %mul3A_293 = arith.constant 0 : i32
        %mul3A_294 = vector.broadcast %mul3A_293 : i32 to vector<16xi32>
        %mul3A_295 = arith.muli %iota3A, %mul3A_294 : vector<16xi32>
        %add3A_296 = vector.broadcast %add3A_254 : i32 to vector<16xi32>
        %add3A_297 = arith.addi %mul3A_295, %add3A_296 : vector<16xi32>
        %add3A_298 = arith.constant 0 : i32
        %add3A_299 = vector.broadcast %add3A_298 : i32 to vector<16xi32>
        %add3A_300 = arith.addi %add3A_299, %iota3A : vector<16xi32>
        %gather3A_301 = tpu.vector_load_idx %arg5[%add3A_300, %add3A_297] : memref<200x128xi32, #tpu.memory_space<vmem>>[vector<16xi32>, vector<16xi32>], vector<16xi32>,
        %shift_right_logical3A_302 = arith.constant 1 : i32
        %shift_right_logical3A_303 = vector.broadcast %shift_right_logical3A_302 : i32 to vector<16xi32>
        %shift_right_logical3A_304 = arith.shrui %gather3A_301, %shift_right_logical3A_303 : vector<16xi32>
        %swap3A_305 = arith.constant 0 : index
        %swap3A_306 = tpu.vector_load %arg7[%swap3A_305] {strides = array<i32>} : memref<200xi32, #tpu.memory_space<vmem>>, vector<16xi32>,
        tpu.vector_store %arg7[%swap3A_305], %shift_right_logical3A_304 {strides = array<i32>} : memref<200xi32, #tpu.memory_space<vmem>>, vector<16xi32>,
        %and3A_307 = arith.constant 1 : i32
        %and3A_308 = vector.broadcast %and3A_307 : i32 to vector<16xi32>
        %and3A_309 = arith.andi %gather3A_301, %and3A_308 : vector<16xi32>
        %mul3A_310 = arith.constant 64 : i32
        %mul3A_311 = vector.broadcast %mul3A_310 : i32 to vector<16xi32>
        %mul3A_312 = arith.muli %and3A_309, %mul3A_311 : vector<16xi32>
        %swap3A_313 = arith.constant 0 : index
        %swap3A_314 = tpu.vector_load %arg9[%swap3A_313] {strides = array<i32>} : memref<200xi32, #tpu.memory_space<vmem>>, vector<16xi32>,
        tpu.vector_store %arg9[%swap3A_313], %mul3A_312 {strides = array<i32>} : memref<200xi32, #tpu.memory_space<vmem>>, vector<16xi32>,
        %add3A_315 = arith.constant 16 : i32
        %add3A_316 = vector.broadcast %add3A_315 : i32 to vector<16xi32>
        %add3A_317 = arith.addi %add3A_316, %iota3A : vector<16xi32>
        %gather3A_318 = tpu.vector_load_idx %arg5[%add3A_317, %add3A_297] : memref<200x128xi32, #tpu.memory_space<vmem>>[vector<16xi32>, vector<16xi32>], vector<16xi32>,
        %shift_right_logical3A_319 = arith.constant 1 : i32
        %shift_right_logical3A_320 = vector.broadcast %shift_right_logical3A_319 : i32 to vector<16xi32>
        %shift_right_logical3A_321 = arith.shrui %gather3A_318, %shift_right_logical3A_320 : vector<16xi32>
        %swap3A_322 = arith.constant 16 : index
        %swap3A_323 = tpu.vector_load %arg7[%swap3A_322] {strides = array<i32>} : memref<200xi32, #tpu.memory_space<vmem>>, vector<16xi32>,
        tpu.vector_store %arg7[%swap3A_322], %shift_right_logical3A_321 {strides = array<i32>} : memref<200xi32, #tpu.memory_space<vmem>>, vector<16xi32>,
        %and3A_324 = arith.constant 1 : i32
        %and3A_325 = vector.broadcast %and3A_324 : i32 to vector<16xi32>
        %and3A_326 = arith.andi %gather3A_318, %and3A_325 : vector<16xi32>
        %mul3A_327 = arith.constant 64 : i32
        %mul3A_328 = vector.broadcast %mul3A_327 : i32 to vector<16xi32>
        %mul3A_329 = arith.muli %and3A_326, %mul3A_328 : vector<16xi32>
        %swap3A_330 = arith.constant 16 : index
        %swap3A_331 = tpu.vector_load %arg9[%swap3A_330] {strides = array<i32>} : memref<200xi32, #tpu.memory_space<vmem>>, vector<16xi32>,
        tpu.vector_store %arg9[%swap3A_330], %mul3A_329 {strides = array<i32>} : memref<200xi32, #tpu.memory_space<vmem>>, vector<16xi32>,
        %add3A_332 = arith.constant 32 : i32
        %add3A_333 = vector.broadcast %add3A_332 : i32 to vector<16xi32>
        %add3A_334 = arith.addi %add3A_333, %iota3A : vector<16xi32>
        %gather3A_335 = tpu.vector_load_idx %arg5[%add3A_334, %add3A_297] : memref<200x128xi32, #tpu.memory_space<vmem>>[vector<16xi32>, vector<16xi32>], vector<16xi32>,
        %shift_right_logical3A_336 = arith.constant 1 : i32
        %shift_right_logical3A_337 = vector.broadcast %shift_right_logical3A_336 : i32 to vector<16xi32>
        %shift_right_logical3A_338 = arith.shrui %gather3A_335, %shift_right_logical3A_337 : vector<16xi32>
        %swap3A_339 = arith.constant 32 : index
        %swap3A_340 = tpu.vector_load %arg7[%swap3A_339] {strides = array<i32>} : memref<200xi32, #tpu.memory_space<vmem>>, vector<16xi32>,
        tpu.vector_store %arg7[%swap3A_339], %shift_right_logical3A_338 {strides = array<i32>} : memref<200xi32, #tpu.memory_space<vmem>>, vector<16xi32>,
        %and3A_341 = arith.constant 1 : i32
        %and3A_342 = vector.broadcast %and3A_341 : i32 to vector<16xi32>
        %and3A_343 = arith.andi %gather3A_335, %and3A_342 : vector<16xi32>
        %mul3A_344 = arith.constant 64 : i32
        %mul3A_345 = vector.broadcast %mul3A_344 : i32 to vector<16xi32>
        %mul3A_346 = arith.muli %and3A_343, %mul3A_345 : vector<16xi32>
        %swap3A_347 = arith.constant 32 : index
        %swap3A_348 = tpu.vector_load %arg9[%swap3A_347] {strides = array<i32>} : memref<200xi32, #tpu.memory_space<vmem>>, vector<16xi32>,
        tpu.vector_store %arg9[%swap3A_347], %mul3A_346 {strides = array<i32>} : memref<200xi32, #tpu.memory_space<vmem>>, vector<16xi32>,
        %add3A_349 = arith.constant 48 : i32
        %add3A_350 = vector.broadcast %add3A_349 : i32 to vector<16xi32>
        %add3A_351 = arith.addi %add3A_350, %iota3A : vector<16xi32>
        %gather3A_352 = tpu.vector_load_idx %arg5[%add3A_351, %add3A_297] : memref<200x128xi32, #tpu.memory_space<vmem>>[vector<16xi32>, vector<16xi32>], vector<16xi32>,
        %shift_right_logical3A_353 = arith.constant 1 : i32
        %shift_right_logical3A_354 = vector.broadcast %shift_right_logical3A_353 : i32 to vector<16xi32>
        %shift_right_logical3A_355 = arith.shrui %gather3A_352, %shift_right_logical3A_354 : vector<16xi32>
        %swap3A_356 = arith.constant 48 : index
        %swap3A_357 = tpu.vector_load %arg7[%swap3A_356] {strides = array<i32>} : memref<200xi32, #tpu.memory_space<vmem>>, vector<16xi32>,
        tpu.vector_store %arg7[%swap3A_356], %shift_right_logical3A_355 {strides = array<i32>} : memref<200xi32, #tpu.memory_space<vmem>>, vector<16xi32>,
        %and3A_358 = arith.constant 1 : i32
        %and3A_359 = vector.broadcast %and3A_358 : i32 to vector<16xi32>
        %and3A_360 = arith.andi %gather3A_352, %and3A_359 : vector<16xi32>
        %mul3A_361 = arith.constant 64 : i32
        %mul3A_362 = vector.broadcast %mul3A_361 : i32 to vector<16xi32>
        %mul3A_363 = arith.muli %and3A_360, %mul3A_362 : vector<16xi32>
        %swap3A_364 = arith.constant 48 : index
        %swap3A_365 = tpu.vector_load %arg9[%swap3A_364] {strides = array<i32>} : memref<200xi32, #tpu.memory_space<vmem>>, vector<16xi32>,
        tpu.vector_store %arg9[%swap3A_364], %mul3A_363 {strides = array<i32>} : memref<200xi32, #tpu.memory_space<vmem>>, vector<16xi32>,
        %add3A_366 = arith.constant 64 : i32
        %add3A_367 = vector.broadcast %add3A_366 : i32 to vector<16xi32>
        %add3A_368 = arith.addi %add3A_367, %iota3A : vector<16xi32>
        %gather3A_369 = tpu.vector_load_idx %arg5[%add3A_368, %add3A_297] : memref<200x128xi32, #tpu.memory_space<vmem>>[vector<16xi32>, vector<16xi32>], vector<16xi32>,
        %shift_right_logical3A_370 = arith.constant 1 : i32
        %shift_right_logical3A_371 = vector.broadcast %shift_right_logical3A_370 : i32 to vector<16xi32>
        %shift_right_logical3A_372 = arith.shrui %gather3A_369, %shift_right_logical3A_371 : vector<16xi32>
        %swap3A_373 = arith.constant 64 : index
        %swap3A_374 = tpu.vector_load %arg7[%swap3A_373] {strides = array<i32>} : memref<200xi32, #tpu.memory_space<vmem>>, vector<16xi32>,
        tpu.vector_store %arg7[%swap3A_373], %shift_right_logical3A_372 {strides = array<i32>} : memref<200xi32, #tpu.memory_space<vmem>>, vector<16xi32>,
        %and3A_375 = arith.constant 1 : i32
        %and3A_376 = vector.broadcast %and3A_375 : i32 to vector<16xi32>
        %and3A_377 = arith.andi %gather3A_369, %and3A_376 : vector<16xi32>
        %mul3A_378 = arith.constant 64 : i32
        %mul3A_379 = vector.broadcast %mul3A_378 : i32 to vector<16xi32>
        %mul3A_380 = arith.muli %and3A_377, %mul3A_379 : vector<16xi32>
        %swap3A_381 = arith.constant 64 : index
        %swap3A_382 = tpu.vector_load %arg9[%swap3A_381] {strides = array<i32>} : memref<200xi32, #tpu.memory_space<vmem>>, vector<16xi32>,
        tpu.vector_store %arg9[%swap3A_381], %mul3A_380 {strides = array<i32>} : memref<200xi32, #tpu.memory_space<vmem>>, vector<16xi32>,
        %add3A_383 = arith.constant 80 : i32
        %add3A_384 = vector.broadcast %add3A_383 : i32 to vector<16xi32>
        %add3A_385 = arith.addi %add3A_384, %iota3A : vector<16xi32>
        %gather3A_386 = tpu.vector_load_idx %arg5[%add3A_385, %add3A_297] : memref<200x128xi32, #tpu.memory_space<vmem>>[vector<16xi32>, vector<16xi32>], vector<16xi32>,
        %shift_right_logical3A_387 = arith.constant 1 : i32
        %shift_right_logical3A_388 = vector.broadcast %shift_right_logical3A_387 : i32 to vector<16xi32>
        %shift_right_logical3A_389 = arith.shrui %gather3A_386, %shift_right_logical3A_388 : vector<16xi32>
        %swap3A_390 = arith.constant 80 : index
        %swap3A_391 = tpu.vector_load %arg7[%swap3A_390] {strides = array<i32>} : memref<200xi32, #tpu.memory_space<vmem>>, vector<16xi32>,
        tpu.vector_store %arg7[%swap3A_390], %shift_right_logical3A_389 {strides = array<i32>} : memref<200xi32, #tpu.memory_space<vmem>>, vector<16xi32>,
        %and3A_392 = arith.constant 1 : i32
        %and3A_393 = vector.broadcast %and3A_392 : i32 to vector<16xi32>
        %and3A_394 = arith.andi %gather3A_386, %and3A_393 : vector<16xi32>
        %mul3A_395 = arith.constant 64 : i32
        %mul3A_396 = vector.broadcast %mul3A_395 : i32 to vector<16xi32>
        %mul3A_397 = arith.muli %and3A_394, %mul3A_396 : vector<16xi32>
        %swap3A_398 = arith.constant 80 : index
        %swap3A_399 = tpu.vector_load %arg9[%swap3A_398] {strides = array<i32>} : memref<200xi32, #tpu.memory_space<vmem>>, vector<16xi32>,
        tpu.vector_store %arg9[%swap3A_398], %mul3A_397 {strides = array<i32>} : memref<200xi32, #tpu.memory_space<vmem>>, vector<16xi32>,
        %add3A_400 = arith.constant 96 : i32
        %add3A_401 = vector.broadcast %add3A_400 : i32 to vector<16xi32>
        %add3A_402 = arith.addi %add3A_401, %iota3A : vector<16xi32>
        %gather3A_403 = tpu.vector_load_idx %arg5[%add3A_402, %add3A_297] : memref<200x128xi32, #tpu.memory_space<vmem>>[vector<16xi32>, vector<16xi32>], vector<16xi32>,
        %shift_right_logical3A_404 = arith.constant 1 : i32
        %shift_right_logical3A_405 = vector.broadcast %shift_right_logical3A_404 : i32 to vector<16xi32>
        %shift_right_logical3A_406 = arith.shrui %gather3A_403, %shift_right_logical3A_405 : vector<16xi32>
        %swap3A_407 = arith.constant 96 : index
        %swap3A_408 = tpu.vector_load %arg7[%swap3A_407] {strides = array<i32>} : memref<200xi32, #tpu.memory_space<vmem>>, vector<16xi32>,
        tpu.vector_store %arg7[%swap3A_407], %shift_right_logical3A_406 {strides = array<i32>} : memref<200xi32, #tpu.memory_space<vmem>>, vector<16xi32>,
        %and3A_409 = arith.constant 1 : i32
        %and3A_410 = vector.broadcast %and3A_409 : i32 to vector<16xi32>
        %and3A_411 = arith.andi %gather3A_403, %and3A_410 : vector<16xi32>
        %mul3A_412 = arith.constant 64 : i32
        %mul3A_413 = vector.broadcast %mul3A_412 : i32 to vector<16xi32>
        %mul3A_414 = arith.muli %and3A_411, %mul3A_413 : vector<16xi32>
        %swap3A_415 = arith.constant 96 : index
        %swap3A_416 = tpu.vector_load %arg9[%swap3A_415] {strides = array<i32>} : memref<200xi32, #tpu.memory_space<vmem>>, vector<16xi32>,
        tpu.vector_store %arg9[%swap3A_415], %mul3A_414 {strides = array<i32>} : memref<200xi32, #tpu.memory_space<vmem>>, vector<16xi32>,
        %add3A_417 = arith.constant 112 : i32
        %add3A_418 = vector.broadcast %add3A_417 : i32 to vector<16xi32>
        %add3A_419 = arith.addi %add3A_418, %iota3A : vector<16xi32>
        %gather3A_420 = tpu.vector_load_idx %arg5[%add3A_419, %add3A_297] : memref<200x128xi32, #tpu.memory_space<vmem>>[vector<16xi32>, vector<16xi32>], vector<16xi32>,
        %shift_right_logical3A_421 = arith.constant 1 : i32
        %shift_right_logical3A_422 = vector.broadcast %shift_right_logical3A_421 : i32 to vector<16xi32>
        %shift_right_logical3A_423 = arith.shrui %gather3A_420, %shift_right_logical3A_422 : vector<16xi32>
        %swap3A_424 = arith.constant 112 : index
        %swap3A_425 = tpu.vector_load %arg7[%swap3A_424] {strides = array<i32>} : memref<200xi32, #tpu.memory_space<vmem>>, vector<16xi32>,
        tpu.vector_store %arg7[%swap3A_424], %shift_right_logical3A_423 {strides = array<i32>} : memref<200xi32, #tpu.memory_space<vmem>>, vector<16xi32>,
        %and3A_426 = arith.constant 1 : i32
        %and3A_427 = vector.broadcast %and3A_426 : i32 to vector<16xi32>
        %and3A_428 = arith.andi %gather3A_420, %and3A_427 : vector<16xi32>
        %mul3A_429 = arith.constant 64 : i32
        %mul3A_430 = vector.broadcast %mul3A_429 : i32 to vector<16xi32>
        %mul3A_431 = arith.muli %and3A_428, %mul3A_430 : vector<16xi32>
        %swap3A_432 = arith.constant 112 : index
        %swap3A_433 = tpu.vector_load %arg9[%swap3A_432] {strides = array<i32>} : memref<200xi32, #tpu.memory_space<vmem>>, vector<16xi32>,
        tpu.vector_store %arg9[%swap3A_432], %mul3A_431 {strides = array<i32>} : memref<200xi32, #tpu.memory_space<vmem>>, vector<16xi32>,
        %add3A_434 = arith.constant 128 : i32
        %add3A_435 = vector.broadcast %add3A_434 : i32 to vector<16xi32>
        %add3A_436 = arith.addi %add3A_435, %iota3A : vector<16xi32>
        %gather3A_437 = tpu.vector_load_idx %arg5[%add3A_436, %add3A_297] : memref<200x128xi32, #tpu.memory_space<vmem>>[vector<16xi32>, vector<16xi32>], vector<16xi32>,
        %shift_right_logical3A_438 = arith.constant 1 : i32
        %shift_right_logical3A_439 = vector.broadcast %shift_right_logical3A_438 : i32 to vector<16xi32>
        %shift_right_logical3A_440 = arith.shrui %gather3A_437, %shift_right_logical3A_439 : vector<16xi32>
        %swap3A_441 = arith.constant 128 : index
        %swap3A_442 = tpu.vector_load %arg7[%swap3A_441] {strides = array<i32>} : memref<200xi32, #tpu.memory_space<vmem>>, vector<16xi32>,
        tpu.vector_store %arg7[%swap3A_441], %shift_right_logical3A_440 {strides = array<i32>} : memref<200xi32, #tpu.memory_space<vmem>>, vector<16xi32>,
        %and3A_443 = arith.constant 1 : i32
        %and3A_444 = vector.broadcast %and3A_443 : i32 to vector<16xi32>
        %and3A_445 = arith.andi %gather3A_437, %and3A_444 : vector<16xi32>
        %mul3A_446 = arith.constant 64 : i32
        %mul3A_447 = vector.broadcast %mul3A_446 : i32 to vector<16xi32>
        %mul3A_448 = arith.muli %and3A_445, %mul3A_447 : vector<16xi32>
        %swap3A_449 = arith.constant 128 : index
        %swap3A_450 = tpu.vector_load %arg9[%swap3A_449] {strides = array<i32>} : memref<200xi32, #tpu.memory_space<vmem>>, vector<16xi32>,
        tpu.vector_store %arg9[%swap3A_449], %mul3A_448 {strides = array<i32>} : memref<200xi32, #tpu.memory_space<vmem>>, vector<16xi32>,
        %add3A_451 = arith.constant 144 : i32
        %add3A_452 = vector.broadcast %add3A_451 : i32 to vector<16xi32>
        %add3A_453 = arith.addi %add3A_452, %iota3A : vector<16xi32>
        %gather3A_454 = tpu.vector_load_idx %arg5[%add3A_453, %add3A_297] : memref<200x128xi32, #tpu.memory_space<vmem>>[vector<16xi32>, vector<16xi32>], vector<16xi32>,
        %shift_right_logical3A_455 = arith.constant 1 : i32
        %shift_right_logical3A_456 = vector.broadcast %shift_right_logical3A_455 : i32 to vector<16xi32>
        %shift_right_logical3A_457 = arith.shrui %gather3A_454, %shift_right_logical3A_456 : vector<16xi32>
        %swap3A_458 = arith.constant 144 : index
        %swap3A_459 = tpu.vector_load %arg7[%swap3A_458] {strides = array<i32>} : memref<200xi32, #tpu.memory_space<vmem>>, vector<16xi32>,
        tpu.vector_store %arg7[%swap3A_458], %shift_right_logical3A_457 {strides = array<i32>} : memref<200xi32, #tpu.memory_space<vmem>>, vector<16xi32>,
        %and3A_460 = arith.constant 1 : i32
        %and3A_461 = vector.broadcast %and3A_460 : i32 to vector<16xi32>
        %and3A_462 = arith.andi %gather3A_454, %and3A_461 : vector<16xi32>
        %mul3A_463 = arith.constant 64 : i32
        %mul3A_464 = vector.broadcast %mul3A_463 : i32 to vector<16xi32>
        %mul3A_465 = arith.muli %and3A_462, %mul3A_464 : vector<16xi32>
        %swap3A_466 = arith.constant 144 : index
        %swap3A_467 = tpu.vector_load %arg9[%swap3A_466] {strides = array<i32>} : memref<200xi32, #tpu.memory_space<vmem>>, vector<16xi32>,
        tpu.vector_store %arg9[%swap3A_466], %mul3A_465 {strides = array<i32>} : memref<200xi32, #tpu.memory_space<vmem>>, vector<16xi32>,
        %add3A_468 = arith.constant 160 : i32
        %add3A_469 = vector.broadcast %add3A_468 : i32 to vector<16xi32>
        %add3A_470 = arith.addi %add3A_469, %iota3A : vector<16xi32>
        %gather3A_471 = tpu.vector_load_idx %arg5[%add3A_470, %add3A_297] : memref<200x128xi32, #tpu.memory_space<vmem>>[vector<16xi32>, vector<16xi32>], vector<16xi32>,
        %shift_right_logical3A_472 = arith.constant 1 : i32
        %shift_right_logical3A_473 = vector.broadcast %shift_right_logical3A_472 : i32 to vector<16xi32>
        %shift_right_logical3A_474 = arith.shrui %gather3A_471, %shift_right_logical3A_473 : vector<16xi32>
        %swap3A_475 = arith.constant 160 : index
        %swap3A_476 = tpu.vector_load %arg7[%swap3A_475] {strides = array<i32>} : memref<200xi32, #tpu.memory_space<vmem>>, vector<16xi32>,
        tpu.vector_store %arg7[%swap3A_475], %shift_right_logical3A_474 {strides = array<i32>} : memref<200xi32, #tpu.memory_space<vmem>>, vector<16xi32>,
        %and3A_477 = arith.constant 1 : i32
        %and3A_478 = vector.broadcast %and3A_477 : i32 to vector<16xi32>
        %and3A_479 = arith.andi %gather3A_471, %and3A_478 : vector<16xi32>
        %mul3A_480 = arith.constant 64 : i32
        %mul3A_481 = vector.broadcast %mul3A_480 : i32 to vector<16xi32>
        %mul3A_482 = arith.muli %and3A_479, %mul3A_481 : vector<16xi32>
        %swap3A_483 = arith.constant 160 : index
        %swap3A_484 = tpu.vector_load %arg9[%swap3A_483] {strides = array<i32>} : memref<200xi32, #tpu.memory_space<vmem>>, vector<16xi32>,
        tpu.vector_store %arg9[%swap3A_483], %mul3A_482 {strides = array<i32>} : memref<200xi32, #tpu.memory_space<vmem>>, vector<16xi32>,
        %add3A_485 = arith.constant 176 : i32
        %add3A_486 = vector.broadcast %add3A_485 : i32 to vector<16xi32>
        %add3A_487 = arith.addi %add3A_486, %iota3A : vector<16xi32>
        %gather3A_488 = tpu.vector_load_idx %arg5[%add3A_487, %add3A_297] : memref<200x128xi32, #tpu.memory_space<vmem>>[vector<16xi32>, vector<16xi32>], vector<16xi32>,
        %shift_right_logical3A_489 = arith.constant 1 : i32
        %shift_right_logical3A_490 = vector.broadcast %shift_right_logical3A_489 : i32 to vector<16xi32>
        %shift_right_logical3A_491 = arith.shrui %gather3A_488, %shift_right_logical3A_490 : vector<16xi32>
        %swap3A_492 = arith.constant 176 : index
        %swap3A_493 = tpu.vector_load %arg7[%swap3A_492] {strides = array<i32>} : memref<200xi32, #tpu.memory_space<vmem>>, vector<16xi32>,
        tpu.vector_store %arg7[%swap3A_492], %shift_right_logical3A_491 {strides = array<i32>} : memref<200xi32, #tpu.memory_space<vmem>>, vector<16xi32>,
        %and3A_494 = arith.constant 1 : i32
        %and3A_495 = vector.broadcast %and3A_494 : i32 to vector<16xi32>
        %and3A_496 = arith.andi %gather3A_488, %and3A_495 : vector<16xi32>
        %mul3A_497 = arith.constant 64 : i32
        %mul3A_498 = vector.broadcast %mul3A_497 : i32 to vector<16xi32>
        %mul3A_499 = arith.muli %and3A_496, %mul3A_498 : vector<16xi32>
        %swap3A_500 = arith.constant 176 : index
        %swap3A_501 = tpu.vector_load %arg9[%swap3A_500] {strides = array<i32>} : memref<200xi32, #tpu.memory_space<vmem>>, vector<16xi32>,
        tpu.vector_store %arg9[%swap3A_500], %mul3A_499 {strides = array<i32>} : memref<200xi32, #tpu.memory_space<vmem>>, vector<16xi32>,
        %add3A_502 = arith.constant 184 : i32
        %add3A_503 = vector.broadcast %add3A_502 : i32 to vector<16xi32>
        %add3A_504 = arith.addi %add3A_503, %iota3A : vector<16xi32>
        %gather3A_505 = tpu.vector_load_idx %arg5[%add3A_504, %add3A_297] : memref<200x128xi32, #tpu.memory_space<vmem>>[vector<16xi32>, vector<16xi32>], vector<16xi32>,
        %shift_right_logical3A_506 = arith.constant 1 : i32
        %shift_right_logical3A_507 = vector.broadcast %shift_right_logical3A_506 : i32 to vector<16xi32>
        %shift_right_logical3A_508 = arith.shrui %gather3A_505, %shift_right_logical3A_507 : vector<16xi32>
        %swap3A_509 = arith.constant 184 : index
        %swap3A_510 = tpu.vector_load %arg7[%swap3A_509] {strides = array<i32>} : memref<200xi32, #tpu.memory_space<vmem>>, vector<16xi32>,
        tpu.vector_store %arg7[%swap3A_509], %shift_right_logical3A_508 {strides = array<i32>} : memref<200xi32, #tpu.memory_space<vmem>>, vector<16xi32>,
        %and3A_511 = arith.constant 1 : i32
        %and3A_512 = vector.broadcast %and3A_511 : i32 to vector<16xi32>
        %and3A_513 = arith.andi %gather3A_505, %and3A_512 : vector<16xi32>
        %mul3A_514 = arith.constant 64 : i32
        %mul3A_515 = vector.broadcast %mul3A_514 : i32 to vector<16xi32>
        %mul3A_516 = arith.muli %and3A_513, %mul3A_515 : vector<16xi32>
        %swap3A_517 = arith.constant 184 : index
        %swap3A_518 = tpu.vector_load %arg9[%swap3A_517] {strides = array<i32>} : memref<200xi32, #tpu.memory_space<vmem>>, vector<16xi32>,
        tpu.vector_store %arg9[%swap3A_517], %mul3A_516 {strides = array<i32>} : memref<200xi32, #tpu.memory_space<vmem>>, vector<16xi32>,
        %ge3A = arith.constant 2 : i32
        %ge3A_519 = arith.cmpi sge, %add3A_254, %ge3A : i32
        %convert_element_type3A_520 = arith.extui %ge3A_519 : i1 to i32
        %cond3A_521 = arith.constant 0 : i32
        %cond3A_522 = arith.cmpi ne, %convert_element_type3A_520, %cond3A_521 : i32
        scf.if %cond3A_522 {
          %sub3A = arith.constant 2 : i32
          %sub3A_526 = arith.subi %add3A_254, %sub3A : i32
          %add3A_527 = arith.addi %mul3A_2, %sub3A_526 : i32
          %mul3A_528 = arith.constant 200 : i32
          %mul3A_529 = arith.muli %add3A_527, %mul3A_528 : i32
          %dma_wait3A_530 = arith.constant 0 : i32
          %dma_wait3A_531 = tpu.memref_slice %arg4[%mul3A_529, %dma_wait3A_530] : memref<819200x64xf32, #tpu.memory_space<hbm>> -> memref<200x64xf32, #tpu.memory_space<hbm>>
          %dma_wait3A_532 = arith.constant 0 : i32
          %dma_wait3A_533 = tpu.memref_slice %arg4[%mul3A_529, %dma_wait3A_532] : memref<819200x64xf32, #tpu.memory_space<hbm>> -> memref<200x64xf32, #tpu.memory_space<hbm>>
          tpu.wait_dma2 semaphore(%arg17 : memref<!tpu.dma_semaphore, #tpu.memory_space<semaphore_mem>>) src(%arg13 : memref<200x64xf32, #tpu.memory_space<vmem>>) dst(%dma_wait3A_533 : memref<200x64xf32, #tpu.memory_space<hbm>>)
        } else {
        }
        %dma_start3A_523 = arith.constant 0 : i32
        %dma_start3A_524 = arith.constant 0 : i32
        %dma_start3A_525 = tpu.memref_slice %arg3[%dma_start3A_523, %dma_start3A_524] : memref<500000x128xf32, #tpu.memory_space<hbm>> -> memref<500000x128xf32, #tpu.memory_space<hbm>>
        tpu.enqueue_indirect_dma source(%dma_start3A_525 : memref<500000x128xf32, #tpu.memory_space<hbm>>) target(%arg11 : memref<200x128xf32, #tpu.memory_space<vmem>>) offsets(%arg7 : memref<200xi32, #tpu.memory_space<vmem>>) semaphore(%arg15 : memref<!tpu.dma_semaphore, #tpu.memory_space<semaphore_mem>>)
      } else {
      }
      %dma_wait3A_257 = arith.constant 0 : i32
      %dma_wait3A_258 = arith.constant 0 : i32
      %dma_wait3A_259 = tpu.memref_slice %arg3[%dma_wait3A_257, %dma_wait3A_258] : memref<500000x128xf32, #tpu.memory_space<hbm>> -> memref<500000x128xf32, #tpu.memory_space<hbm>>
      tpu.wait_indirect_dma semaphore(%arg14 : memref<!tpu.dma_semaphore, #tpu.memory_space<semaphore_mem>>) src(%dma_wait3A_259 : memref<500000x128xf32, #tpu.memory_space<hbm>>) dst(%arg10 : memref<200x128xf32, #tpu.memory_space<vmem>>)
      %parallel_loop3A = arith.constant 0 : i32
      %parallel_loop3A_260 = arith.constant 200 : i32
      %parallel_loop3A_261 = arith.constant 1 : i32
      scf.for %parallel_loop3A_293 = %parallel_loop3A to %parallel_loop3A_260 step %parallel_loop3A_261  : i32 {
        %parallel_loop3A_294 = arith.constant 0 : i32
        %parallel_loop3A_295 = vector.broadcast %parallel_loop3A_294 : i32 to vector<16xi32>
        %parallel_loop3A_296 = arith.muli %iota3A, %parallel_loop3A_295 : vector<16xi32>
        %parallel_loop3A_297 = vector.broadcast %parallel_loop3A_293 : i32 to vector<16xi32>
        %parallel_loop3A_298 = arith.addi %parallel_loop3A_296, %parallel_loop3A_297 : vector<16xi32>
        %parallel_loop3A_299 = tpu.vector_load_idx %arg8[%parallel_loop3A_298] : memref<200xi32, #tpu.memory_space<vmem>>[vector<16xi32>], vector<16xi32>,
        %parallel_loop3A_300 = arith.constant 0 : i32
        %parallel_loop3A_301 = vector.broadcast %parallel_loop3A_300 : i32 to vector<16xi32>
        %parallel_loop3A_302 = arith.addi %parallel_loop3A_299, %parallel_loop3A_301 : vector<16xi32>
        %parallel_loop3A_303 = arith.addi %parallel_loop3A_302, %iota3A : vector<16xi32>
        %parallel_loop3A_304 = tpu.vector_load_idx %arg10[%parallel_loop3A_298, %parallel_loop3A_303] : memref<200x128xf32, #tpu.memory_space<vmem>>[vector<16xi32>, vector<16xi32>], vector<16xf32>,
        %parallel_loop3A_305 = arith.index_cast %parallel_loop3A_293 : i32 to index
        %parallel_loop3A_306 = arith.constant 0 : index
        %parallel_loop3A_307 = tpu.vector_load %arg12[%parallel_loop3A_305, %parallel_loop3A_306] {strides = array<i32>} : memref<200x64xf32, #tpu.memory_space<vmem>>, vector<16xf32>,
        tpu.vector_store %arg12[%parallel_loop3A_305, %parallel_loop3A_306], %parallel_loop3A_304 {strides = array<i32>} : memref<200x64xf32, #tpu.memory_space<vmem>>, vector<16xf32>,
        %parallel_loop3A_308 = arith.constant 16 : i32
        %parallel_loop3A_309 = vector.broadcast %parallel_loop3A_308 : i32 to vector<16xi32>
        %parallel_loop3A_310 = arith.addi %parallel_loop3A_299, %parallel_loop3A_309 : vector<16xi32>
        %parallel_loop3A_311 = arith.addi %parallel_loop3A_310, %iota3A : vector<16xi32>
        %parallel_loop3A_312 = tpu.vector_load_idx %arg10[%parallel_loop3A_298, %parallel_loop3A_311] : memref<200x128xf32, #tpu.memory_space<vmem>>[vector<16xi32>, vector<16xi32>], vector<16xf32>,
        %parallel_loop3A_313 = arith.index_cast %parallel_loop3A_293 : i32 to index
        %parallel_loop3A_314 = arith.constant 16 : index
        %parallel_loop3A_315 = tpu.vector_load %arg12[%parallel_loop3A_313, %parallel_loop3A_314] {strides = array<i32>} : memref<200x64xf32, #tpu.memory_space<vmem>>, vector<16xf32>,
        tpu.vector_store %arg12[%parallel_loop3A_313, %parallel_loop3A_314], %parallel_loop3A_312 {strides = array<i32>} : memref<200x64xf32, #tpu.memory_space<vmem>>, vector<16xf32>,
        %parallel_loop3A_316 = arith.constant 32 : i32
        %parallel_loop3A_317 = vector.broadcast %parallel_loop3A_316 : i32 to vector<16xi32>
        %parallel_loop3A_318 = arith.addi %parallel_loop3A_299, %parallel_loop3A_317 : vector<16xi32>
        %parallel_loop3A_319 = arith.addi %parallel_loop3A_318, %iota3A : vector<16xi32>
        %parallel_loop3A_320 = tpu.vector_load_idx %arg10[%parallel_loop3A_298, %parallel_loop3A_319] : memref<200x128xf32, #tpu.memory_space<vmem>>[vector<16xi32>, vector<16xi32>], vector<16xf32>,
        %parallel_loop3A_321 = arith.index_cast %parallel_loop3A_293 : i32 to index
        %parallel_loop3A_322 = arith.constant 32 : index
        %parallel_loop3A_323 = tpu.vector_load %arg12[%parallel_loop3A_321, %parallel_loop3A_322] {strides = array<i32>} : memref<200x64xf32, #tpu.memory_space<vmem>>, vector<16xf32>,
        tpu.vector_store %arg12[%parallel_loop3A_321, %parallel_loop3A_322], %parallel_loop3A_320 {strides = array<i32>} : memref<200x64xf32, #tpu.memory_space<vmem>>, vector<16xf32>,
        %parallel_loop3A_324 = arith.constant 48 : i32
        %parallel_loop3A_325 = vector.broadcast %parallel_loop3A_324 : i32 to vector<16xi32>
        %parallel_loop3A_326 = arith.addi %parallel_loop3A_299, %parallel_loop3A_325 : vector<16xi32>
        %parallel_loop3A_327 = arith.addi %parallel_loop3A_326, %iota3A : vector<16xi32>
        %parallel_loop3A_328 = tpu.vector_load_idx %arg10[%parallel_loop3A_298, %parallel_loop3A_327] : memref<200x128xf32, #tpu.memory_space<vmem>>[vector<16xi32>, vector<16xi32>], vector<16xf32>,
        %parallel_loop3A_329 = arith.index_cast %parallel_loop3A_293 : i32 to index
        %parallel_loop3A_330 = arith.constant 48 : index
        %parallel_loop3A_331 = tpu.vector_load %arg12[%parallel_loop3A_329, %parallel_loop3A_330] {strides = array<i32>} : memref<200x64xf32, #tpu.memory_space<vmem>>, vector<16xf32>,
        tpu.vector_store %arg12[%parallel_loop3A_329, %parallel_loop3A_330], %parallel_loop3A_328 {strides = array<i32>} : memref<200x64xf32, #tpu.memory_space<vmem>>, vector<16xf32>,
      } {sc.loop_unroll_factor = 8 : i64, sc.parallel_access}
      %add3A_262 = arith.addi %mul3A_2, %add3A_252 : i32
      %mul3A_263 = arith.constant 200 : i32
      %mul3A_264 = arith.muli %add3A_262, %mul3A_263 : i32
      %dma_start3A_265 = arith.constant 0 : i32
      %dma_start3A_266 = tpu.memref_slice %arg4[%mul3A_264, %dma_start3A_265] : memref<819200x64xf32, #tpu.memory_space<hbm>> -> memref<200x64xf32, #tpu.memory_space<hbm>>
      %dma_start3A_267 = arith.constant 0 : i32
      %dma_start3A_268 = tpu.memref_slice %arg4[%mul3A_264, %dma_start3A_267] : memref<819200x64xf32, #tpu.memory_space<hbm>> -> memref<200x64xf32, #tpu.memory_space<hbm>>
      tpu.enqueue_dma source(%arg12 : memref<200x64xf32, #tpu.memory_space<vmem>>) target(%dma_start3A_268 : memref<200x64xf32, #tpu.memory_space<hbm>>) target_semaphore(%arg16 : memref<!tpu.dma_semaphore, #tpu.memory_space<semaphore_mem>>)
      %mul3A_269 = arith.constant 2 : i32
      %mul3A_270 = arith.muli %mul3A_269, %scan3A_248 : i32
      %add3A_271 = arith.constant 1 : i32
      %add3A_272 = arith.addi %mul3A_270, %add3A_271 : i32
      %add3A_273 = arith.constant 1 : i32
      %add3A_274 = arith.addi %add3A_272, %add3A_273 : i32
      %lt3A_275 = arith.constant 128 : i32
      %lt3A_276 = arith.cmpi slt, %add3A_274, %lt3A_275 : i32
      %convert_element_type3A_277 = arith.extui %lt3A_276 : i1 to i32
      %cond3A_278 = arith.constant 0 : i32
      %cond3A_279 = arith.cmpi ne, %convert_element_type3A_277, %cond3A_278 : i32
      scf.if %cond3A_279 {
        %mul3A_293 = arith.constant 0 : i32
        %mul3A_294 = vector.broadcast %mul3A_293 : i32 to vector<16xi32>
        %mul3A_295 = arith.muli %iota3A, %mul3A_294 : vector<16xi32>
        %add3A_296 = vector.broadcast %add3A_274 : i32 to vector<16xi32>
        %add3A_297 = arith.addi %mul3A_295, %add3A_296 : vector<16xi32>
        %add3A_298 = arith.constant 0 : i32
        %add3A_299 = vector.broadcast %add3A_298 : i32 to vector<16xi32>
        %add3A_300 = arith.addi %add3A_299, %iota3A : vector<16xi32>
        %gather3A_301 = tpu.vector_load_idx %arg5[%add3A_300, %add3A_297] : memref<200x128xi32, #tpu.memory_space<vmem>>[vector<16xi32>, vector<16xi32>], vector<16xi32>,
        %shift_right_logical3A_302 = arith.constant 1 : i32
        %shift_right_logical3A_303 = vector.broadcast %shift_right_logical3A_302 : i32 to vector<16xi32>
        %shift_right_logical3A_304 = arith.shrui %gather3A_301, %shift_right_logical3A_303 : vector<16xi32>
        %swap3A_305 = arith.constant 0 : index
        %swap3A_306 = tpu.vector_load %arg6[%swap3A_305] {strides = array<i32>} : memref<200xi32, #tpu.memory_space<vmem>>, vector<16xi32>,
        tpu.vector_store %arg6[%swap3A_305], %shift_right_logical3A_304 {strides = array<i32>} : memref<200xi32, #tpu.memory_space<vmem>>, vector<16xi32>,
        %and3A_307 = arith.constant 1 : i32
        %and3A_308 = vector.broadcast %and3A_307 : i32 to vector<16xi32>
        %and3A_309 = arith.andi %gather3A_301, %and3A_308 : vector<16xi32>
        %mul3A_310 = arith.constant 64 : i32
        %mul3A_311 = vector.broadcast %mul3A_310 : i32 to vector<16xi32>
        %mul3A_312 = arith.muli %and3A_309, %mul3A_311 : vector<16xi32>
        %swap3A_313 = arith.constant 0 : index
        %swap3A_314 = tpu.vector_load %arg8[%swap3A_313] {strides = array<i32>} : memref<200xi32, #tpu.memory_space<vmem>>, vector<16xi32>,
        tpu.vector_store %arg8[%swap3A_313], %mul3A_312 {strides = array<i32>} : memref<200xi32, #tpu.memory_space<vmem>>, vector<16xi32>,
        %add3A_315 = arith.constant 16 : i32
        %add3A_316 = vector.broadcast %add3A_315 : i32 to vector<16xi32>
        %add3A_317 = arith.addi %add3A_316, %iota3A : vector<16xi32>
        %gather3A_318 = tpu.vector_load_idx %arg5[%add3A_317, %add3A_297] : memref<200x128xi32, #tpu.memory_space<vmem>>[vector<16xi32>, vector<16xi32>], vector<16xi32>,
        %shift_right_logical3A_319 = arith.constant 1 : i32
        %shift_right_logical3A_320 = vector.broadcast %shift_right_logical3A_319 : i32 to vector<16xi32>
        %shift_right_logical3A_321 = arith.shrui %gather3A_318, %shift_right_logical3A_320 : vector<16xi32>
        %swap3A_322 = arith.constant 16 : index
        %swap3A_323 = tpu.vector_load %arg6[%swap3A_322] {strides = array<i32>} : memref<200xi32, #tpu.memory_space<vmem>>, vector<16xi32>,
        tpu.vector_store %arg6[%swap3A_322], %shift_right_logical3A_321 {strides = array<i32>} : memref<200xi32, #tpu.memory_space<vmem>>, vector<16xi32>,
        %and3A_324 = arith.constant 1 : i32
        %and3A_325 = vector.broadcast %and3A_324 : i32 to vector<16xi32>
        %and3A_326 = arith.andi %gather3A_318, %and3A_325 : vector<16xi32>
        %mul3A_327 = arith.constant 64 : i32
        %mul3A_328 = vector.broadcast %mul3A_327 : i32 to vector<16xi32>
        %mul3A_329 = arith.muli %and3A_326, %mul3A_328 : vector<16xi32>
        %swap3A_330 = arith.constant 16 : index
        %swap3A_331 = tpu.vector_load %arg8[%swap3A_330] {strides = array<i32>} : memref<200xi32, #tpu.memory_space<vmem>>, vector<16xi32>,
        tpu.vector_store %arg8[%swap3A_330], %mul3A_329 {strides = array<i32>} : memref<200xi32, #tpu.memory_space<vmem>>, vector<16xi32>,
        %add3A_332 = arith.constant 32 : i32
        %add3A_333 = vector.broadcast %add3A_332 : i32 to vector<16xi32>
        %add3A_334 = arith.addi %add3A_333, %iota3A : vector<16xi32>
        %gather3A_335 = tpu.vector_load_idx %arg5[%add3A_334, %add3A_297] : memref<200x128xi32, #tpu.memory_space<vmem>>[vector<16xi32>, vector<16xi32>], vector<16xi32>,
        %shift_right_logical3A_336 = arith.constant 1 : i32
        %shift_right_logical3A_337 = vector.broadcast %shift_right_logical3A_336 : i32 to vector<16xi32>
        %shift_right_logical3A_338 = arith.shrui %gather3A_335, %shift_right_logical3A_337 : vector<16xi32>
        %swap3A_339 = arith.constant 32 : index
        %swap3A_340 = tpu.vector_load %arg6[%swap3A_339] {strides = array<i32>} : memref<200xi32, #tpu.memory_space<vmem>>, vector<16xi32>,
        tpu.vector_store %arg6[%swap3A_339], %shift_right_logical3A_338 {strides = array<i32>} : memref<200xi32, #tpu.memory_space<vmem>>, vector<16xi32>,
        %and3A_341 = arith.constant 1 : i32
        %and3A_342 = vector.broadcast %and3A_341 : i32 to vector<16xi32>
        %and3A_343 = arith.andi %gather3A_335, %and3A_342 : vector<16xi32>
        %mul3A_344 = arith.constant 64 : i32
        %mul3A_345 = vector.broadcast %mul3A_344 : i32 to vector<16xi32>
        %mul3A_346 = arith.muli %and3A_343, %mul3A_345 : vector<16xi32>
        %swap3A_347 = arith.constant 32 : index
        %swap3A_348 = tpu.vector_load %arg8[%swap3A_347] {strides = array<i32>} : memref<200xi32, #tpu.memory_space<vmem>>, vector<16xi32>,
        tpu.vector_store %arg8[%swap3A_347], %mul3A_346 {strides = array<i32>} : memref<200xi32, #tpu.memory_space<vmem>>, vector<16xi32>,
        %add3A_349 = arith.constant 48 : i32
        %add3A_350 = vector.broadcast %add3A_349 : i32 to vector<16xi32>
        %add3A_351 = arith.addi %add3A_350, %iota3A : vector<16xi32>
        %gather3A_352 = tpu.vector_load_idx %arg5[%add3A_351, %add3A_297] : memref<200x128xi32, #tpu.memory_space<vmem>>[vector<16xi32>, vector<16xi32>], vector<16xi32>,
        %shift_right_logical3A_353 = arith.constant 1 : i32
        %shift_right_logical3A_354 = vector.broadcast %shift_right_logical3A_353 : i32 to vector<16xi32>
        %shift_right_logical3A_355 = arith.shrui %gather3A_352, %shift_right_logical3A_354 : vector<16xi32>
        %swap3A_356 = arith.constant 48 : index
        %swap3A_357 = tpu.vector_load %arg6[%swap3A_356] {strides = array<i32>} : memref<200xi32, #tpu.memory_space<vmem>>, vector<16xi32>,
        tpu.vector_store %arg6[%swap3A_356], %shift_right_logical3A_355 {strides = array<i32>} : memref<200xi32, #tpu.memory_space<vmem>>, vector<16xi32>,
        %and3A_358 = arith.constant 1 : i32
        %and3A_359 = vector.broadcast %and3A_358 : i32 to vector<16xi32>
        %and3A_360 = arith.andi %gather3A_352, %and3A_359 : vector<16xi32>
        %mul3A_361 = arith.constant 64 : i32
        %mul3A_362 = vector.broadcast %mul3A_361 : i32 to vector<16xi32>
        %mul3A_363 = arith.muli %and3A_360, %mul3A_362 : vector<16xi32>
        %swap3A_364 = arith.constant 48 : index
        %swap3A_365 = tpu.vector_load %arg8[%swap3A_364] {strides = array<i32>} : memref<200xi32, #tpu.memory_space<vmem>>, vector<16xi32>,
        tpu.vector_store %arg8[%swap3A_364], %mul3A_363 {strides = array<i32>} : memref<200xi32, #tpu.memory_space<vmem>>, vector<16xi32>,
        %add3A_366 = arith.constant 64 : i32
        %add3A_367 = vector.broadcast %add3A_366 : i32 to vector<16xi32>
        %add3A_368 = arith.addi %add3A_367, %iota3A : vector<16xi32>
        %gather3A_369 = tpu.vector_load_idx %arg5[%add3A_368, %add3A_297] : memref<200x128xi32, #tpu.memory_space<vmem>>[vector<16xi32>, vector<16xi32>], vector<16xi32>,
        %shift_right_logical3A_370 = arith.constant 1 : i32
        %shift_right_logical3A_371 = vector.broadcast %shift_right_logical3A_370 : i32 to vector<16xi32>
        %shift_right_logical3A_372 = arith.shrui %gather3A_369, %shift_right_logical3A_371 : vector<16xi32>
        %swap3A_373 = arith.constant 64 : index
        %swap3A_374 = tpu.vector_load %arg6[%swap3A_373] {strides = array<i32>} : memref<200xi32, #tpu.memory_space<vmem>>, vector<16xi32>,
        tpu.vector_store %arg6[%swap3A_373], %shift_right_logical3A_372 {strides = array<i32>} : memref<200xi32, #tpu.memory_space<vmem>>, vector<16xi32>,
        %and3A_375 = arith.constant 1 : i32
        %and3A_376 = vector.broadcast %and3A_375 : i32 to vector<16xi32>
        %and3A_377 = arith.andi %gather3A_369, %and3A_376 : vector<16xi32>
        %mul3A_378 = arith.constant 64 : i32
        %mul3A_379 = vector.broadcast %mul3A_378 : i32 to vector<16xi32>
        %mul3A_380 = arith.muli %and3A_377, %mul3A_379 : vector<16xi32>
        %swap3A_381 = arith.constant 64 : index
        %swap3A_382 = tpu.vector_load %arg8[%swap3A_381] {strides = array<i32>} : memref<200xi32, #tpu.memory_space<vmem>>, vector<16xi32>,
        tpu.vector_store %arg8[%swap3A_381], %mul3A_380 {strides = array<i32>} : memref<200xi32, #tpu.memory_space<vmem>>, vector<16xi32>,
        %add3A_383 = arith.constant 80 : i32
        %add3A_384 = vector.broadcast %add3A_383 : i32 to vector<16xi32>
        %add3A_385 = arith.addi %add3A_384, %iota3A : vector<16xi32>
        %gather3A_386 = tpu.vector_load_idx %arg5[%add3A_385, %add3A_297] : memref<200x128xi32, #tpu.memory_space<vmem>>[vector<16xi32>, vector<16xi32>], vector<16xi32>,
        %shift_right_logical3A_387 = arith.constant 1 : i32
        %shift_right_logical3A_388 = vector.broadcast %shift_right_logical3A_387 : i32 to vector<16xi32>
        %shift_right_logical3A_389 = arith.shrui %gather3A_386, %shift_right_logical3A_388 : vector<16xi32>
        %swap3A_390 = arith.constant 80 : index
        %swap3A_391 = tpu.vector_load %arg6[%swap3A_390] {strides = array<i32>} : memref<200xi32, #tpu.memory_space<vmem>>, vector<16xi32>,
        tpu.vector_store %arg6[%swap3A_390], %shift_right_logical3A_389 {strides = array<i32>} : memref<200xi32, #tpu.memory_space<vmem>>, vector<16xi32>,
        %and3A_392 = arith.constant 1 : i32
        %and3A_393 = vector.broadcast %and3A_392 : i32 to vector<16xi32>
        %and3A_394 = arith.andi %gather3A_386, %and3A_393 : vector<16xi32>
        %mul3A_395 = arith.constant 64 : i32
        %mul3A_396 = vector.broadcast %mul3A_395 : i32 to vector<16xi32>
        %mul3A_397 = arith.muli %and3A_394, %mul3A_396 : vector<16xi32>
        %swap3A_398 = arith.constant 80 : index
        %swap3A_399 = tpu.vector_load %arg8[%swap3A_398] {strides = array<i32>} : memref<200xi32, #tpu.memory_space<vmem>>, vector<16xi32>,
        tpu.vector_store %arg8[%swap3A_398], %mul3A_397 {strides = array<i32>} : memref<200xi32, #tpu.memory_space<vmem>>, vector<16xi32>,
        %add3A_400 = arith.constant 96 : i32
        %add3A_401 = vector.broadcast %add3A_400 : i32 to vector<16xi32>
        %add3A_402 = arith.addi %add3A_401, %iota3A : vector<16xi32>
        %gather3A_403 = tpu.vector_load_idx %arg5[%add3A_402, %add3A_297] : memref<200x128xi32, #tpu.memory_space<vmem>>[vector<16xi32>, vector<16xi32>], vector<16xi32>,
        %shift_right_logical3A_404 = arith.constant 1 : i32
        %shift_right_logical3A_405 = vector.broadcast %shift_right_logical3A_404 : i32 to vector<16xi32>
        %shift_right_logical3A_406 = arith.shrui %gather3A_403, %shift_right_logical3A_405 : vector<16xi32>
        %swap3A_407 = arith.constant 96 : index
        %swap3A_408 = tpu.vector_load %arg6[%swap3A_407] {strides = array<i32>} : memref<200xi32, #tpu.memory_space<vmem>>, vector<16xi32>,
        tpu.vector_store %arg6[%swap3A_407], %shift_right_logical3A_406 {strides = array<i32>} : memref<200xi32, #tpu.memory_space<vmem>>, vector<16xi32>,
        %and3A_409 = arith.constant 1 : i32
        %and3A_410 = vector.broadcast %and3A_409 : i32 to vector<16xi32>
        %and3A_411 = arith.andi %gather3A_403, %and3A_410 : vector<16xi32>
        %mul3A_412 = arith.constant 64 : i32
        %mul3A_413 = vector.broadcast %mul3A_412 : i32 to vector<16xi32>
        %mul3A_414 = arith.muli %and3A_411, %mul3A_413 : vector<16xi32>
        %swap3A_415 = arith.constant 96 : index
        %swap3A_416 = tpu.vector_load %arg8[%swap3A_415] {strides = array<i32>} : memref<200xi32, #tpu.memory_space<vmem>>, vector<16xi32>,
        tpu.vector_store %arg8[%swap3A_415], %mul3A_414 {strides = array<i32>} : memref<200xi32, #tpu.memory_space<vmem>>, vector<16xi32>,
        %add3A_417 = arith.constant 112 : i32
        %add3A_418 = vector.broadcast %add3A_417 : i32 to vector<16xi32>
        %add3A_419 = arith.addi %add3A_418, %iota3A : vector<16xi32>
        %gather3A_420 = tpu.vector_load_idx %arg5[%add3A_419, %add3A_297] : memref<200x128xi32, #tpu.memory_space<vmem>>[vector<16xi32>, vector<16xi32>], vector<16xi32>,
        %shift_right_logical3A_421 = arith.constant 1 : i32
        %shift_right_logical3A_422 = vector.broadcast %shift_right_logical3A_421 : i32 to vector<16xi32>
        %shift_right_logical3A_423 = arith.shrui %gather3A_420, %shift_right_logical3A_422 : vector<16xi32>
        %swap3A_424 = arith.constant 112 : index
        %swap3A_425 = tpu.vector_load %arg6[%swap3A_424] {strides = array<i32>} : memref<200xi32, #tpu.memory_space<vmem>>, vector<16xi32>,
        tpu.vector_store %arg6[%swap3A_424], %shift_right_logical3A_423 {strides = array<i32>} : memref<200xi32, #tpu.memory_space<vmem>>, vector<16xi32>,
        %and3A_426 = arith.constant 1 : i32
        %and3A_427 = vector.broadcast %and3A_426 : i32 to vector<16xi32>
        %and3A_428 = arith.andi %gather3A_420, %and3A_427 : vector<16xi32>
        %mul3A_429 = arith.constant 64 : i32
        %mul3A_430 = vector.broadcast %mul3A_429 : i32 to vector<16xi32>
        %mul3A_431 = arith.muli %and3A_428, %mul3A_430 : vector<16xi32>
        %swap3A_432 = arith.constant 112 : index
        %swap3A_433 = tpu.vector_load %arg8[%swap3A_432] {strides = array<i32>} : memref<200xi32, #tpu.memory_space<vmem>>, vector<16xi32>,
        tpu.vector_store %arg8[%swap3A_432], %mul3A_431 {strides = array<i32>} : memref<200xi32, #tpu.memory_space<vmem>>, vector<16xi32>,
        %add3A_434 = arith.constant 128 : i32
        %add3A_435 = vector.broadcast %add3A_434 : i32 to vector<16xi32>
        %add3A_436 = arith.addi %add3A_435, %iota3A : vector<16xi32>
        %gather3A_437 = tpu.vector_load_idx %arg5[%add3A_436, %add3A_297] : memref<200x128xi32, #tpu.memory_space<vmem>>[vector<16xi32>, vector<16xi32>], vector<16xi32>,
        %shift_right_logical3A_438 = arith.constant 1 : i32
        %shift_right_logical3A_439 = vector.broadcast %shift_right_logical3A_438 : i32 to vector<16xi32>
        %shift_right_logical3A_440 = arith.shrui %gather3A_437, %shift_right_logical3A_439 : vector<16xi32>
        %swap3A_441 = arith.constant 128 : index
        %swap3A_442 = tpu.vector_load %arg6[%swap3A_441] {strides = array<i32>} : memref<200xi32, #tpu.memory_space<vmem>>, vector<16xi32>,
        tpu.vector_store %arg6[%swap3A_441], %shift_right_logical3A_440 {strides = array<i32>} : memref<200xi32, #tpu.memory_space<vmem>>, vector<16xi32>,
        %and3A_443 = arith.constant 1 : i32
        %and3A_444 = vector.broadcast %and3A_443 : i32 to vector<16xi32>
        %and3A_445 = arith.andi %gather3A_437, %and3A_444 : vector<16xi32>
        %mul3A_446 = arith.constant 64 : i32
        %mul3A_447 = vector.broadcast %mul3A_446 : i32 to vector<16xi32>
        %mul3A_448 = arith.muli %and3A_445, %mul3A_447 : vector<16xi32>
        %swap3A_449 = arith.constant 128 : index
        %swap3A_450 = tpu.vector_load %arg8[%swap3A_449] {strides = array<i32>} : memref<200xi32, #tpu.memory_space<vmem>>, vector<16xi32>,
        tpu.vector_store %arg8[%swap3A_449], %mul3A_448 {strides = array<i32>} : memref<200xi32, #tpu.memory_space<vmem>>, vector<16xi32>,
        %add3A_451 = arith.constant 144 : i32
        %add3A_452 = vector.broadcast %add3A_451 : i32 to vector<16xi32>
        %add3A_453 = arith.addi %add3A_452, %iota3A : vector<16xi32>
        %gather3A_454 = tpu.vector_load_idx %arg5[%add3A_453, %add3A_297] : memref<200x128xi32, #tpu.memory_space<vmem>>[vector<16xi32>, vector<16xi32>], vector<16xi32>,
        %shift_right_logical3A_455 = arith.constant 1 : i32
        %shift_right_logical3A_456 = vector.broadcast %shift_right_logical3A_455 : i32 to vector<16xi32>
        %shift_right_logical3A_457 = arith.shrui %gather3A_454, %shift_right_logical3A_456 : vector<16xi32>
        %swap3A_458 = arith.constant 144 : index
        %swap3A_459 = tpu.vector_load %arg6[%swap3A_458] {strides = array<i32>} : memref<200xi32, #tpu.memory_space<vmem>>, vector<16xi32>,
        tpu.vector_store %arg6[%swap3A_458], %shift_right_logical3A_457 {strides = array<i32>} : memref<200xi32, #tpu.memory_space<vmem>>, vector<16xi32>,
        %and3A_460 = arith.constant 1 : i32
        %and3A_461 = vector.broadcast %and3A_460 : i32 to vector<16xi32>
        %and3A_462 = arith.andi %gather3A_454, %and3A_461 : vector<16xi32>
        %mul3A_463 = arith.constant 64 : i32
        %mul3A_464 = vector.broadcast %mul3A_463 : i32 to vector<16xi32>
        %mul3A_465 = arith.muli %and3A_462, %mul3A_464 : vector<16xi32>
        %swap3A_466 = arith.constant 144 : index
        %swap3A_467 = tpu.vector_load %arg8[%swap3A_466] {strides = array<i32>} : memref<200xi32, #tpu.memory_space<vmem>>, vector<16xi32>,
        tpu.vector_store %arg8[%swap3A_466], %mul3A_465 {strides = array<i32>} : memref<200xi32, #tpu.memory_space<vmem>>, vector<16xi32>,
        %add3A_468 = arith.constant 160 : i32
        %add3A_469 = vector.broadcast %add3A_468 : i32 to vector<16xi32>
        %add3A_470 = arith.addi %add3A_469, %iota3A : vector<16xi32>
        %gather3A_471 = tpu.vector_load_idx %arg5[%add3A_470, %add3A_297] : memref<200x128xi32, #tpu.memory_space<vmem>>[vector<16xi32>, vector<16xi32>], vector<16xi32>,
        %shift_right_logical3A_472 = arith.constant 1 : i32
        %shift_right_logical3A_473 = vector.broadcast %shift_right_logical3A_472 : i32 to vector<16xi32>
        %shift_right_logical3A_474 = arith.shrui %gather3A_471, %shift_right_logical3A_473 : vector<16xi32>
        %swap3A_475 = arith.constant 160 : index
        %swap3A_476 = tpu.vector_load %arg6[%swap3A_475] {strides = array<i32>} : memref<200xi32, #tpu.memory_space<vmem>>, vector<16xi32>,
        tpu.vector_store %arg6[%swap3A_475], %shift_right_logical3A_474 {strides = array<i32>} : memref<200xi32, #tpu.memory_space<vmem>>, vector<16xi32>,
        %and3A_477 = arith.constant 1 : i32
        %and3A_478 = vector.broadcast %and3A_477 : i32 to vector<16xi32>
        %and3A_479 = arith.andi %gather3A_471, %and3A_478 : vector<16xi32>
        %mul3A_480 = arith.constant 64 : i32
        %mul3A_481 = vector.broadcast %mul3A_480 : i32 to vector<16xi32>
        %mul3A_482 = arith.muli %and3A_479, %mul3A_481 : vector<16xi32>
        %swap3A_483 = arith.constant 160 : index
        %swap3A_484 = tpu.vector_load %arg8[%swap3A_483] {strides = array<i32>} : memref<200xi32, #tpu.memory_space<vmem>>, vector<16xi32>,
        tpu.vector_store %arg8[%swap3A_483], %mul3A_482 {strides = array<i32>} : memref<200xi32, #tpu.memory_space<vmem>>, vector<16xi32>,
        %add3A_485 = arith.constant 176 : i32
        %add3A_486 = vector.broadcast %add3A_485 : i32 to vector<16xi32>
        %add3A_487 = arith.addi %add3A_486, %iota3A : vector<16xi32>
        %gather3A_488 = tpu.vector_load_idx %arg5[%add3A_487, %add3A_297] : memref<200x128xi32, #tpu.memory_space<vmem>>[vector<16xi32>, vector<16xi32>], vector<16xi32>,
        %shift_right_logical3A_489 = arith.constant 1 : i32
        %shift_right_logical3A_490 = vector.broadcast %shift_right_logical3A_489 : i32 to vector<16xi32>
        %shift_right_logical3A_491 = arith.shrui %gather3A_488, %shift_right_logical3A_490 : vector<16xi32>
        %swap3A_492 = arith.constant 176 : index
        %swap3A_493 = tpu.vector_load %arg6[%swap3A_492] {strides = array<i32>} : memref<200xi32, #tpu.memory_space<vmem>>, vector<16xi32>,
        tpu.vector_store %arg6[%swap3A_492], %shift_right_logical3A_491 {strides = array<i32>} : memref<200xi32, #tpu.memory_space<vmem>>, vector<16xi32>,
        %and3A_494 = arith.constant 1 : i32
        %and3A_495 = vector.broadcast %and3A_494 : i32 to vector<16xi32>
        %and3A_496 = arith.andi %gather3A_488, %and3A_495 : vector<16xi32>
        %mul3A_497 = arith.constant 64 : i32
        %mul3A_498 = vector.broadcast %mul3A_497 : i32 to vector<16xi32>
        %mul3A_499 = arith.muli %and3A_496, %mul3A_498 : vector<16xi32>
        %swap3A_500 = arith.constant 176 : index
        %swap3A_501 = tpu.vector_load %arg8[%swap3A_500] {strides = array<i32>} : memref<200xi32, #tpu.memory_space<vmem>>, vector<16xi32>,
        tpu.vector_store %arg8[%swap3A_500], %mul3A_499 {strides = array<i32>} : memref<200xi32, #tpu.memory_space<vmem>>, vector<16xi32>,
        %add3A_502 = arith.constant 184 : i32
        %add3A_503 = vector.broadcast %add3A_502 : i32 to vector<16xi32>
        %add3A_504 = arith.addi %add3A_503, %iota3A : vector<16xi32>
        %gather3A_505 = tpu.vector_load_idx %arg5[%add3A_504, %add3A_297] : memref<200x128xi32, #tpu.memory_space<vmem>>[vector<16xi32>, vector<16xi32>], vector<16xi32>,
        %shift_right_logical3A_506 = arith.constant 1 : i32
        %shift_right_logical3A_507 = vector.broadcast %shift_right_logical3A_506 : i32 to vector<16xi32>
        %shift_right_logical3A_508 = arith.shrui %gather3A_505, %shift_right_logical3A_507 : vector<16xi32>
        %swap3A_509 = arith.constant 184 : index
        %swap3A_510 = tpu.vector_load %arg6[%swap3A_509] {strides = array<i32>} : memref<200xi32, #tpu.memory_space<vmem>>, vector<16xi32>,
        tpu.vector_store %arg6[%swap3A_509], %shift_right_logical3A_508 {strides = array<i32>} : memref<200xi32, #tpu.memory_space<vmem>>, vector<16xi32>,
        %and3A_511 = arith.constant 1 : i32
        %and3A_512 = vector.broadcast %and3A_511 : i32 to vector<16xi32>
        %and3A_513 = arith.andi %gather3A_505, %and3A_512 : vector<16xi32>
        %mul3A_514 = arith.constant 64 : i32
        %mul3A_515 = vector.broadcast %mul3A_514 : i32 to vector<16xi32>
        %mul3A_516 = arith.muli %and3A_513, %mul3A_515 : vector<16xi32>
        %swap3A_517 = arith.constant 184 : index
        %swap3A_518 = tpu.vector_load %arg8[%swap3A_517] {strides = array<i32>} : memref<200xi32, #tpu.memory_space<vmem>>, vector<16xi32>,
        tpu.vector_store %arg8[%swap3A_517], %mul3A_516 {strides = array<i32>} : memref<200xi32, #tpu.memory_space<vmem>>, vector<16xi32>,
        %ge3A = arith.constant 2 : i32
        %ge3A_519 = arith.cmpi sge, %add3A_274, %ge3A : i32
        %convert_element_type3A_520 = arith.extui %ge3A_519 : i1 to i32
        %cond3A_521 = arith.constant 0 : i32
        %cond3A_522 = arith.cmpi ne, %convert_element_type3A_520, %cond3A_521 : i32
        scf.if %cond3A_522 {
          %sub3A = arith.constant 2 : i32
          %sub3A_526 = arith.subi %add3A_274, %sub3A : i32
          %add3A_527 = arith.addi %mul3A_2, %sub3A_526 : i32
          %mul3A_528 = arith.constant 200 : i32
          %mul3A_529 = arith.muli %add3A_527, %mul3A_528 : i32
          %dma_wait3A_530 = arith.constant 0 : i32
          %dma_wait3A_531 = tpu.memref_slice %arg4[%mul3A_529, %dma_wait3A_530] : memref<819200x64xf32, #tpu.memory_space<hbm>> -> memref<200x64xf32, #tpu.memory_space<hbm>>
          %dma_wait3A_532 = arith.constant 0 : i32
          %dma_wait3A_533 = tpu.memref_slice %arg4[%mul3A_529, %dma_wait3A_532] : memref<819200x64xf32, #tpu.memory_space<hbm>> -> memref<200x64xf32, #tpu.memory_space<hbm>>
          tpu.wait_dma2 semaphore(%arg16 : memref<!tpu.dma_semaphore, #tpu.memory_space<semaphore_mem>>) src(%arg12 : memref<200x64xf32, #tpu.memory_space<vmem>>) dst(%dma_wait3A_533 : memref<200x64xf32, #tpu.memory_space<hbm>>)
        } else {
        }
        %dma_start3A_523 = arith.constant 0 : i32
        %dma_start3A_524 = arith.constant 0 : i32
        %dma_start3A_525 = tpu.memref_slice %arg3[%dma_start3A_523, %dma_start3A_524] : memref<500000x128xf32, #tpu.memory_space<hbm>> -> memref<500000x128xf32, #tpu.memory_space<hbm>>
        tpu.enqueue_indirect_dma source(%dma_start3A_525 : memref<500000x128xf32, #tpu.memory_space<hbm>>) target(%arg10 : memref<200x128xf32, #tpu.memory_space<vmem>>) offsets(%arg6 : memref<200xi32, #tpu.memory_space<vmem>>) semaphore(%arg14 : memref<!tpu.dma_semaphore, #tpu.memory_space<semaphore_mem>>)
      } else {
      }
      %dma_wait3A_280 = arith.constant 0 : i32
      %dma_wait3A_281 = arith.constant 0 : i32
      %dma_wait3A_282 = tpu.memref_slice %arg3[%dma_wait3A_280, %dma_wait3A_281] : memref<500000x128xf32, #tpu.memory_space<hbm>> -> memref<500000x128xf32, #tpu.memory_space<hbm>>
      tpu.wait_indirect_dma semaphore(%arg15 : memref<!tpu.dma_semaphore, #tpu.memory_space<semaphore_mem>>) src(%dma_wait3A_282 : memref<500000x128xf32, #tpu.memory_space<hbm>>) dst(%arg11 : memref<200x128xf32, #tpu.memory_space<vmem>>)
      %parallel_loop3A_283 = arith.constant 0 : i32
      %parallel_loop3A_284 = arith.constant 200 : i32
      %parallel_loop3A_285 = arith.constant 1 : i32
      scf.for %parallel_loop3A_293 = %parallel_loop3A_283 to %parallel_loop3A_284 step %parallel_loop3A_285  : i32 {
        %parallel_loop3A_294 = arith.constant 0 : i32
        %parallel_loop3A_295 = vector.broadcast %parallel_loop3A_294 : i32 to vector<16xi32>
        %parallel_loop3A_296 = arith.muli %iota3A, %parallel_loop3A_295 : vector<16xi32>
        %parallel_loop3A_297 = vector.broadcast %parallel_loop3A_293 : i32 to vector<16xi32>
        %parallel_loop3A_298 = arith.addi %parallel_loop3A_296, %parallel_loop3A_297 : vector<16xi32>
        %parallel_loop3A_299 = tpu.vector_load_idx %arg9[%parallel_loop3A_298] : memref<200xi32, #tpu.memory_space<vmem>>[vector<16xi32>], vector<16xi32>,
        %parallel_loop3A_300 = arith.constant 0 : i32
        %parallel_loop3A_301 = vector.broadcast %parallel_loop3A_300 : i32 to vector<16xi32>
        %parallel_loop3A_302 = arith.addi %parallel_loop3A_299, %parallel_loop3A_301 : vector<16xi32>
        %parallel_loop3A_303 = arith.addi %parallel_loop3A_302, %iota3A : vector<16xi32>
        %parallel_loop3A_304 = tpu.vector_load_idx %arg11[%parallel_loop3A_298, %parallel_loop3A_303] : memref<200x128xf32, #tpu.memory_space<vmem>>[vector<16xi32>, vector<16xi32>], vector<16xf32>,
        %parallel_loop3A_305 = arith.index_cast %parallel_loop3A_293 : i32 to index
        %parallel_loop3A_306 = arith.constant 0 : index
        %parallel_loop3A_307 = tpu.vector_load %arg13[%parallel_loop3A_305, %parallel_loop3A_306] {strides = array<i32>} : memref<200x64xf32, #tpu.memory_space<vmem>>, vector<16xf32>,
        tpu.vector_store %arg13[%parallel_loop3A_305, %parallel_loop3A_306], %parallel_loop3A_304 {strides = array<i32>} : memref<200x64xf32, #tpu.memory_space<vmem>>, vector<16xf32>,
        %parallel_loop3A_308 = arith.constant 16 : i32
        %parallel_loop3A_309 = vector.broadcast %parallel_loop3A_308 : i32 to vector<16xi32>
        %parallel_loop3A_310 = arith.addi %parallel_loop3A_299, %parallel_loop3A_309 : vector<16xi32>
        %parallel_loop3A_311 = arith.addi %parallel_loop3A_310, %iota3A : vector<16xi32>
        %parallel_loop3A_312 = tpu.vector_load_idx %arg11[%parallel_loop3A_298, %parallel_loop3A_311] : memref<200x128xf32, #tpu.memory_space<vmem>>[vector<16xi32>, vector<16xi32>], vector<16xf32>,
        %parallel_loop3A_313 = arith.index_cast %parallel_loop3A_293 : i32 to index
        %parallel_loop3A_314 = arith.constant 16 : index
        %parallel_loop3A_315 = tpu.vector_load %arg13[%parallel_loop3A_313, %parallel_loop3A_314] {strides = array<i32>} : memref<200x64xf32, #tpu.memory_space<vmem>>, vector<16xf32>,
        tpu.vector_store %arg13[%parallel_loop3A_313, %parallel_loop3A_314], %parallel_loop3A_312 {strides = array<i32>} : memref<200x64xf32, #tpu.memory_space<vmem>>, vector<16xf32>,
        %parallel_loop3A_316 = arith.constant 32 : i32
        %parallel_loop3A_317 = vector.broadcast %parallel_loop3A_316 : i32 to vector<16xi32>
        %parallel_loop3A_318 = arith.addi %parallel_loop3A_299, %parallel_loop3A_317 : vector<16xi32>
        %parallel_loop3A_319 = arith.addi %parallel_loop3A_318, %iota3A : vector<16xi32>
        %parallel_loop3A_320 = tpu.vector_load_idx %arg11[%parallel_loop3A_298, %parallel_loop3A_319] : memref<200x128xf32, #tpu.memory_space<vmem>>[vector<16xi32>, vector<16xi32>], vector<16xf32>,
        %parallel_loop3A_321 = arith.index_cast %parallel_loop3A_293 : i32 to index
        %parallel_loop3A_322 = arith.constant 32 : index
        %parallel_loop3A_323 = tpu.vector_load %arg13[%parallel_loop3A_321, %parallel_loop3A_322] {strides = array<i32>} : memref<200x64xf32, #tpu.memory_space<vmem>>, vector<16xf32>,
        tpu.vector_store %arg13[%parallel_loop3A_321, %parallel_loop3A_322], %parallel_loop3A_320 {strides = array<i32>} : memref<200x64xf32, #tpu.memory_space<vmem>>, vector<16xf32>,
        %parallel_loop3A_324 = arith.constant 48 : i32
        %parallel_loop3A_325 = vector.broadcast %parallel_loop3A_324 : i32 to vector<16xi32>
        %parallel_loop3A_326 = arith.addi %parallel_loop3A_299, %parallel_loop3A_325 : vector<16xi32>
        %parallel_loop3A_327 = arith.addi %parallel_loop3A_326, %iota3A : vector<16xi32>
        %parallel_loop3A_328 = tpu.vector_load_idx %arg11[%parallel_loop3A_298, %parallel_loop3A_327] : memref<200x128xf32, #tpu.memory_space<vmem>>[vector<16xi32>, vector<16xi32>], vector<16xf32>,
        %parallel_loop3A_329 = arith.index_cast %parallel_loop3A_293 : i32 to index
        %parallel_loop3A_330 = arith.constant 48 : index
        %parallel_loop3A_331 = tpu.vector_load %arg13[%parallel_loop3A_329, %parallel_loop3A_330] {strides = array<i32>} : memref<200x64xf32, #tpu.memory_space<vmem>>, vector<16xf32>,
        tpu.vector_store %arg13[%parallel_loop3A_329, %parallel_loop3A_330], %parallel_loop3A_328 {strides = array<i32>} : memref<200x64xf32, #tpu.memory_space<vmem>>, vector<16xf32>,
      } {sc.loop_unroll_factor = 8 : i64, sc.parallel_access}
      %add3A_286 = arith.addi %mul3A_2, %add3A_272 : i32
      %mul3A_287 = arith.constant 200 : i32
      %mul3A_288 = arith.muli %add3A_286, %mul3A_287 : i32
      %dma_start3A_289 = arith.constant 0 : i32
      %dma_start3A_290 = tpu.memref_slice %arg4[%mul3A_288, %dma_start3A_289] : memref<819200x64xf32, #tpu.memory_space<hbm>> -> memref<200x64xf32, #tpu.memory_space<hbm>>
      %dma_start3A_291 = arith.constant 0 : i32
      %dma_start3A_292 = tpu.memref_slice %arg4[%mul3A_288, %dma_start3A_291] : memref<819200x64xf32, #tpu.memory_space<hbm>> -> memref<200x64xf32, #tpu.memory_space<hbm>>
      tpu.enqueue_dma source(%arg13 : memref<200x64xf32, #tpu.memory_space<vmem>>) target(%dma_start3A_292 : memref<200x64xf32, #tpu.memory_space<hbm>>) target_semaphore(%arg17 : memref<!tpu.dma_semaphore, #tpu.memory_space<semaphore_mem>>)
    }
    %scan3A_232 = arith.constant 64 : i32
    %add3A_233 = arith.constant 126 : i32
    %add3A_234 = arith.addi %mul3A_2, %add3A_233 : i32
    %mul3A_235 = arith.constant 200 : i32
    %mul3A_236 = arith.muli %add3A_234, %mul3A_235 : i32
    %dma_wait3A = arith.constant 0 : i32
    %dma_wait3A_237 = tpu.memref_slice %arg4[%mul3A_236, %dma_wait3A] : memref<819200x64xf32, #tpu.memory_space<hbm>> -> memref<200x64xf32, #tpu.memory_space<hbm>>
    %dma_wait3A_238 = arith.constant 0 : i32
    %dma_wait3A_239 = tpu.memref_slice %arg4[%mul3A_236, %dma_wait3A_238] : memref<819200x64xf32, #tpu.memory_space<hbm>> -> memref<200x64xf32, #tpu.memory_space<hbm>>
    tpu.wait_dma2 semaphore(%arg16 : memref<!tpu.dma_semaphore, #tpu.memory_space<semaphore_mem>>) src(%arg12 : memref<200x64xf32, #tpu.memory_space<vmem>>) dst(%dma_wait3A_239 : memref<200x64xf32, #tpu.memory_space<hbm>>)
    %add3A_240 = arith.constant 127 : i32
    %add3A_241 = arith.addi %mul3A_2, %add3A_240 : i32
    %mul3A_242 = arith.constant 200 : i32
    %mul3A_243 = arith.muli %add3A_241, %mul3A_242 : i32
    %dma_wait3A_244 = arith.constant 0 : i32
    %dma_wait3A_245 = tpu.memref_slice %arg4[%mul3A_243, %dma_wait3A_244] : memref<819200x64xf32, #tpu.memory_space<hbm>> -> memref<200x64xf32, #tpu.memory_space<hbm>>
    %dma_wait3A_246 = arith.constant 0 : i32
    %dma_wait3A_247 = tpu.memref_slice %arg4[%mul3A_243, %dma_wait3A_246] : memref<819200x64xf32, #tpu.memory_space<hbm>> -> memref<200x64xf32, #tpu.memory_space<hbm>>
    tpu.wait_dma2 semaphore(%arg17 : memref<!tpu.dma_semaphore, #tpu.memory_space<semaphore_mem>>) src(%arg13 : memref<200x64xf32, #tpu.memory_space<vmem>>) dst(%dma_wait3A_247 : memref<200x64xf32, #tpu.memory_space<hbm>>)
    return
  }
}

</mosaic_0001>

<sc_bundles>
// kernel: kernel.3.cloned.1.call-start
scs
__scs_entry_jumppad:
0x0: {  	(pc) =	sbr.rel $0x88, $3  }
0x1: {  	(tag) =	ssettag $0x0;
	lr =	simm.s32 $0x1  }
0x2: {  	[smem:$0x3F9F] =	sst lr;
	_ =	strace $0xD0000000  }
0x3: {  	_ = 	snop  }
0x4: {  	_ = 	snop  }
0x5: {  	_ = 	snop  }
0x6: {  	_ = 	snop  }
0x7: {  	_ = 	snop  }
__scs_overlays_trampoline_lowered:
0x8: {  	[smem:$0x3FAE] =	sst s0  }
0x9: {  	[smem:$0x3FAF] =	sst s1  }
0xa: {  	[smem:$0x3FB0] =	sst s2  }
0xb: {  	[smem:$0x3FB1] =	sst s3  }
0xc: {  	[smem:$0x3FB2] =	sst s4  }
0xd: {  	[smem:$0x3FB3] =	sst s5  }
0xe: {  	[smem:$0x3FB4] =	sst s6  }
0xf: {  	[smem:$0x3FB5] =	sst s7  }
0x10: {  	[smem:$0x3FB6] =	sst s8  }
0x11: {  	[smem:$0x3FB7] =	sst s9;
	s0 =	simm.s32 @!p0 $0x0  }
0x12: {  	s1 =	sld [smem:$0x3F9D];
	s0 =	simm.s32 @p0 $0x1  }
0x13: {  	[smem:$0x3FB8] =	sst s0;
	s0 =	simm.s32 @!p1 $0x0  }
0x14: {  	s2 =	sld [smem:$0x3F9C];
	s0 =	simm.s32 @p1 $0x1  }
0x15: {  	[smem:$0x3FB9] =	sst s0;
	s0 =	simm.s32 @!p2 $0x0  }
0x16: {  	s3 =	sld [smem:$0x3FDB];
	s0 =	simm.s32 @p2 $0x1  }
0x17: {  	s4 =	simm.s32 $0x1BF5;
	[smem:$0x3FBB] =	sst s0  }
0x18: {  	s0 =	sld [smem:$0x3F9E];
	_ =	swait.ge [sflag:s4], $0x0  }
0x19: {  	s7 =	sld [smem:$0x3F9F]  }
0x1a: {  	s8 =	sadd.s32 $0xFFFFE003, lr  }
0x1b: {  	s9 =	sadd.s32 $0xFFFFFEF7, lr;
	s5 =	simm.s32 $0xFFFFFFFF;
	p2 =	slt.u32 s8, $0xFFFFF086  }
0x1c: {  	p1 =	slt.u32 s9, $0xF7A;
	s5 =	simm.s32 @!p2 $0x0  }
0x1d: {  	s5 =	simm.s32 @p1 $0x1;
	p0 =	seq.s32 s7, s2  }
0x1e: {  	s7 =	smul.u32 @!p0 $0xF7A, s2;
	p2 =	seq.s32 @!p0 s5, $0x0  }
0x1f: {  	s9 =	smul.u32 $0xF7A, s1;
	s8 =	simm.s32 @!p0 $0x1BF5;
	p2 =	por !p2, p0  }
0x20: {  	[sflag:s8] =	ssyncset.s32 @!p0 $0xFFFFF086;
	s6 =	sadd.s32 @!p0 s3, s7;
	s7 =	simm.s32 @!p0 $0x108  }
0x21: {  	s3 =	sadd.s32 s3, s9;
	s6 =	sadd.s32 @!p0 $0x88, s6;
	s7 =	simm.s32 @p2 $0x1082  }
0x22: {  	[simem:s7], [sflag:s8] =	dma.local @!p0 [hbm:s6], $0xF7A  }
0x23: {  	s9 =	sor.u32 $0xD0000000, s2;
	s6 =	simm.s32 $0x108;
	_ =	swait.ge @!p0 [sflag:s8], $0x0  }
0x24: {  	s3 =	sadd.s32 $0x88, s3;
	s6 =	simm.s32 @!p1 $0x1082;
	[sflag:s4] =	ssyncset.s32 $0xFFFFF086  }
0x25: {  	[simem:s6], [sflag:s4] =	dma.local [hbm:s3], $0xF7A  }
0x26: {  	[smem:$0x3F9F] =	sst s1;
	(tag) =	ssettag s2;
	_ =	strace s9  }
0x27: {  	s1 =	sld [smem:$0x3FAF]  }
0x28: {  	s2 =	sld [smem:$0x3FB0]  }
0x29: {  	s4 =	sld [smem:$0x3FB2]  }
0x2a: {  	p0 =	seq.s32 s5, $0x0;
	s5 =	sld [smem:$0x3FB3]  }
0x2b: {  	s6 =	sld [smem:$0x3FB4]  }
0x2c: {  	s7 =	sld [smem:$0x3FB5]  }
0x2d: {  	s3 =	simm.s32 $0x108;
	s8 =	sld [smem:$0x3FB6]  }
0x2e: {  	s3 =	simm.s32 @!p0 $0x1082;
	s9 =	sld [smem:$0x3FB7]  }
0x2f: {  	lr =	sadd.s32 s0, s3;
	s0 =	sld [smem:$0x3FAE]  }
0x30: {  	s3 =	sld [smem:$0x3FB1]  }
0x31: {  	[smem:$0x3FBA] =	sst s10  }
0x32: {  	s10 =	sld [smem:$0x3FB8];
	_ =	sdelay $0x3  }
0x33: {  	p0 =	seq.s32 s10, $0x1;
	s10 =	sld [smem:$0x3FBA];
	_ =	sdelay $0x3  }
0x34: {  	[smem:$0x3FBA] =	sst s10  }
0x35: {  	s10 =	sld [smem:$0x3FB9];
	_ =	sdelay $0x3  }
0x36: {  	p1 =	seq.s32 s10, $0x1;
	s10 =	sld [smem:$0x3FBA];
	_ =	sdelay $0x3  }
0x37: {  	[smem:$0x3FBA] =	sst s10  }
0x38: {  	s10 =	sld [smem:$0x3FBB]  }
0x39: {  	_ = 	snop;
	(pc) =	sbr.ind lr, $3  }
0x3a: {  	_ = 	snop  }
0x3b: {  	_ = 	snop  }
0x3c: {  	p2 =	seq.s32 s10, $0x1;
	s10 =	sld [smem:$0x3FBA]  }
0x3d: {  	_ =	shalt  }
0x3e: {  	_ =	shalt  }
0x3f: {  	_ =	shalt  }
0x40: {  	_ =	shalt  }
0x41: {  	_ =	shalt  }
0x42: {  	_ =	shalt  }
0x43: {  	_ =	shalt  }
0x44: {  	_ =	shalt  }
0x45: {  	_ =	shalt  }
0x46: {  	_ =	shalt  }
0x47: {  	_ =	shalt  }
0x48: {  	_ =	shalt  }
0x49: {  	_ =	shalt  }
0x4a: {  	_ =	shalt  }
0x4b: {  	_ =	shalt  }
0x4c: {  	_ =	shalt  }
0x4d: {  	_ =	shalt  }
0x4e: {  	_ =	shalt  }
0x4f: {  	_ =	shalt  }
0x50: {  	_ =	shalt  }
0x51: {  	_ =	shalt  }
0x52: {  	_ =	shalt  }
0x53: {  	_ =	shalt  }
0x54: {  	_ =	shalt  }
0x55: {  	_ =	shalt  }
0x56: {  	_ =	shalt  }
0x57: {  	_ =	shalt  }
0x58: {  	_ =	shalt  }
0x59: {  	_ =	shalt  }
0x5a: {  	_ =	shalt  }
0x5b: {  	_ =	shalt  }
0x5c: {  	_ =	shalt  }
0x5d: {  	_ =	shalt  }
0x5e: {  	_ =	shalt  }
0x5f: {  	_ =	shalt  }
0x60: {  	_ =	shalt  }
0x61: {  	_ =	shalt  }
0x62: {  	_ =	shalt  }
0x63: {  	_ =	shalt  }
0x64: {  	_ =	shalt  }
0x65: {  	_ =	shalt  }
0x66: {  	_ =	shalt  }
0x67: {  	_ =	shalt  }
0x68: {  	_ =	shalt  }
0x69: {  	_ =	shalt  }
0x6a: {  	_ =	shalt  }
0x6b: {  	_ =	shalt  }
0x6c: {  	_ =	shalt  }
0x6d: {  	_ =	shalt  }
0x6e: {  	_ =	shalt  }
0x6f: {  	_ =	shalt  }
0x70: {  	_ =	shalt  }
0x71: {  	_ =	shalt  }
0x72: {  	_ =	shalt  }
0x73: {  	_ =	shalt  }
0x74: {  	_ =	shalt  }
0x75: {  	_ =	shalt  }
0x76: {  	_ =	shalt  }
0x77: {  	_ =	shalt  }
0x78: {  	_ =	shalt  }
0x79: {  	_ =	shalt  }
0x7a: {  	_ =	shalt  }
0x7b: {  	_ =	shalt  }
0x7c: {  	_ =	shalt  }
0x7d: {  	_ =	shalt  }
0x7e: {  	_ =	shalt  }
0x7f: {  	_ =	shalt  }
0x80: {  	_ =	shalt  }
0x81: {  	_ =	shalt  }
0x82: {  	_ =	shalt  }
0x83: {  	_ =	shalt  }
0x84: {  	_ =	shalt  }
0x85: {  	_ =	shalt  }
0x86: {  	_ =	shalt  }
0x87: {  	_ =	shalt  }
.Lfunc_end0:
.L_simem_size_0:
called_computation.1_lowered:
.L_overlay_start_0:
0x88: {  	s2 =	sld [smem:$0x3FD9]  }
0x89: {  	s3 =	sld [smem:$0x3FFE];
	_ =	sdelay $0x1  }
0x8a: {  	s1 =	srdreg.scid  }
0x8b: {  	s0 =	sand.u32 $0x1, s1  }
0x8c: {  	s17 =	sshll.u32 s0, $0xA;
	s2 =	sadd.s32 s3, s2  }
0x8d: {  	s2 =	sadd.s32 s2, s17  }
0x8e: {  	[smem:$0x3FC6] =	sst s2  }
0x8f: {  	_ = 	snop  }
0x90: {  	s2 =	sld [smem:$0x3FC9];
	(tm) =	ssettm $0x1  }
0x91: {  	s18 =	sld [smem:$0x3FFB];
	_ =	sdelay $0x3  }
0x92: {  	_ =	strace s18  }
0x93: {  	s3 =	sld [smem:$0x3FFC];
	_ =	sdelay $0x3  }
0x94: {  	_ =	strace s3  }
0x95: {  	s3 =	sld [smem:$0x3FFD];
	_ =	sdelay $0x3  }
0x96: {  	_ =	strace s3  }
0x97: {  	_ =	strace $0x8FFFFFFF  }
0x98: {  	s19 =	sld [smem:$0x3FDB];
	_ =	sdelay $0x1  }
0x99: {  	s4 =	simm.s32 $_scs_section_size  }
0x9a: {  	s5 =	simm.s32 $_size__tile_overlayer_lowered;
	s6 =	simm.s32 $_tile_overlayer_lowered  }
0x9b: {  	s22 =	simm.s32 $0x1BFF;
	s21 =	sshll.u32 s6, $0x1;
	s3 =	sadd.s32 s4, s19  }
0x9c: {  	s7 =	simm.s32 $0x0;
	s20 =	sshll.u32 s5, $0x1;
	s5 =	sadd.s32 s21, s3  }
0x9d: {  	[timem:s7], [sflag:s22] =	dma.local [hbm:s5], s20  }
0x9e: {  	_ =	swait.ge [sflag:s22], s20  }
0x9f: {  	s4 =	ssub.s32 $0x0, s20;
	[sflag:s22] =	ssyncset.done $0x0  }
0xa0: {  	[sflag:s22] =	ssyncadd.s32 s4;
	_ =	sdelay $0x1  }
0xa1: {  	s23 =	simm.s32 $0x1B8B  }
0xa2: {  	_ =	swait.ge [sflag:s23], $0x1  }
0xa3: {  	[sflag:s23] =	ssyncset.done $0x0  }
0xa4: {  	s25 =	simm.s32 $0x1B8E;
	s24 =	sld [smem:$0x3FFE];
	[sflag:s23] =	ssyncadd.s32 $0xFFFFFFFF  }
0xa5: {  	s26 =	simm.s32 $execute0_lowered;
	[smem:$0x3FD2] =	sst s25  }
0xa6: {  	s5 =	sshll.u32 s26, $0x1;
	_ =	strace $0x80000046;
	[dreg:$0x1] =	wrdreg $0xFFFFFFFF  }
0xa7: {  	s28 =	simm.s32 $_size_execute0_lowered;
	s3 =	sadd.s32 s3, s5;
	[dreg:$0x0] =	wrdreg $0x0  }
0xa8: {  	s5 =	sshll.u32 s28, $0x1;
	[dreg:$0x2] =	wrdreg s3  }
0xa9: {  	[dreg:$0x3] =	wrdreg s5  }
0xaa: {  	[dreg:$0x4] =	wrdreg $0xC0  }
0xab: {  	_ =	task [dreg:s7], $0x5FFFF  }
0xac: {  	[dreg:$0x1] =	wrdreg $0xFFFFFFFF  }
0xad: {  	[dreg:$0x0] =	wrdreg $0x60  }
0xae: {  	[dreg:$0x2] =	wrdreg s2  }
0xaf: {  	[dreg:$0x3] =	wrdreg s24  }
0xb0: {  	[dreg:$0x4] =	wrdreg $0x9  }
0xb1: {  	_ =	task.clear_ibuf [dreg:s7], $0x5FFFF;
	_ =	strace $0x90000046  }
0xb2: {  	s29 =	simm.s32 $0x9;
	_ =	strace $0x80000048  }
0xb3: {  	_ =	swait.ge [sflag:s29], $0x1  }
0xb4: {  	[sflag:s29] =	ssyncadd.s32 $0xFFFFFFFF  }
0xb5: {  	_ =	strace $0x90000048  }
0xb6: {  	_ =	sfence  }
0xb7: {  	s30 =	sld [smem:$0x0];
	_ =	sdelay $0x2  }
0xb8: {  	s31 =	sshll.u32 s1, $0xD;
	s1 =	sshrl.u32 s1, $0x2  }
0xb9: {  	s3 =	sand.u32 $0x4000, s31;
	s1 =	sadd.s32 s1, s30  }
0xba: {  	s0 =	sor.u32 s3, s0;
	s1 =	sshll.u32 s1, $0x11  }
0xbb: {  	s0 =	sor.u32 s1, s0  }
0xbc: {  	s0 =	sadd.s32 $0x8F2B, s0  }
0xbd: {  	[sflag:s0] =	ssyncadd.remote.s32 $0x1  }
0xbe: {  	_ =	sfence.sel $0xFFFF  }
0xbf: {  	[dreg:$0x0] =	wrdreg $0xFFFFFFFF;
	(pc) =	sbr.abs _section_cstart, $3  }
0xc0: {  	[dreg:$0x1] =	wrdreg $0xFFFFFFFF  }
0xc1: {  	_ =	task.clear_ibuf [dreg:s7], $0x2FFFF;
	_ =	strace $0x9FFFFFFF  }
0xc2: {  	(tm) =	ssettm $0x7FFFFFFF  }
0xc3: {  	_ =	shalt  }
tec
execute0_lowered:
.L_overlay_start_1:
0x0: {  	(tag) =	ssettag $0x1  }
0x1: {  	s0 =	rddreg [dreg:$0x0]  }
0x2: {  	s5 =	rddreg [dreg:$0x1];
	s2 =	simm.s32 $0x0  }
0x3: {  	s3 =	srdreg.scid;
	s1 =	stileid.u32;
	s10 =	simm.s32 $0x5  }
0x4: {  	s11 =	simm.s32 $0xC8;
	s12 =	simm.s32 $0x6400;
	s13 =	simm.s32 $0x6800  }
0x5: {  	s14 =	simm.s32 $0x6500;
	s15 =	simm.s32 $0xCC00;
	s16 =	simm.s32 $0x1  }
0x6: {  	v0 =	vlaneseq.u32;
	s17 =	simm.s32 $0x6600;
	s18 =	simm.s32 $0x13000;
	s19 =	simm.s32 $0x2  }
0x7: {  	s20 =	simm.s32 $0x6700;
	s21 =	simm.s32 $0x19400;
	s22 =	simm.s32 $0x3;
	v1 =	vmul.u32 $0x80, v0  }
0x8: {  	s23 =	simm.s32 $0x4;
	s24 =	simm.s32 $0x0;
	s3 =	sand.u32 $0x1, s3;
	v14 =	vor.u32 $0x10, v0;
	v15 =	vor.u32 $0x20, v0;
	v16 =	vor.u32 $0x30, v0  }
0x9: {  	[smem:$0x7FF] =	sst s2;
	s4 =	sshll.u32 s1, $0x8;
	s6 =	ssub.s32 $0x2, s3;
	v2 =	vor.u32 $0x800, v1;
	v3 =	vor.u32 $0x1000, v1;
	v4 =	vor.u32 $0x1800, v1  }
0xa: {  	_ =	strace $0x80000047;
	s7 =	sshll.u32 s3, $0x7;
	s8 =	sshrl.u32 s6, $0x1;
	v5 =	vor.u32 $0x2000, v1;
	v6 =	vor.u32 $0x2800, v1;
	v7 =	vor.u32 $0x3000, v1  }
0xb: {  	s3 =	sadd.s32 $0xF42C00, s5;
	s4 =	sor.u32 s7, s4;
	v8 =	vor.u32 $0x3800, v1;
	v9 =	vor.u32 $0x4000, v1;
	v10 =	vor.u32 $0x4800, v1;
	s31 =	ssub.s32 s6, s8  }
0xc: {  	s5 =	sadd.s32 $0x800, s5;
	v11 =	vor.u32 $0x5000, v1;
	v12 =	vor.u32 $0x5800, v1;
	v13 =	vadd.s32 $0x5C00, v1;
	s6 =	sadd.s32 s0, s4;
	s7 =	smax.u32 s31, $0x1  }
.LBB2_1:
0xd: {  	s0 =	simm.s32 $0x400;
	s1 =	simm.s32 $0x8000  }
0xe: {  	[tilespmem:s2], [sflag:$0x5] =	stream.strided.gather [hbm4b:s6+s0], $0x6400, s1, s0, $0x38;
	[tilespmem:$0x1F800] =	vst v63  }
0xf: {  	_ =	swait.ge [sflag:s10], $0x6400  }
0x10: {  	[sflag:s10] =	ssyncset.done $0x0  }
0x11: {  	[sflag:s10] =	ssyncadd.s32 $0xFFFF9C00  }
0x12: {  	v17 =	vld.idx.msk [tilespmem:v1+s2+$0x0], $0xffff;
	_ =	sdelay $0x4  }
0x13: {  	v18 =	vshrl.u32 v17, $0x1;
	v17 =	vshll.u32 v17, $0x6  }
0x14: {  	[tilespmem:$0x6400] =	vst v18;
	v17 =	vand.u32 $0x40, v17  }
0x15: {  	[tilespmem:$0x6600] =	vst v17  }
0x16: {  	v17 =	vld.idx.msk [tilespmem:v2+s2+$0x0], $0xffff;
	_ =	sdelay $0x4  }
0x17: {  	v18 =	vshrl.u32 v17, $0x1;
	v17 =	vshll.u32 v17, $0x6  }
0x18: {  	[tilespmem:$0x6410] =	vst v18;
	v17 =	vand.u32 $0x40, v17  }
0x19: {  	[tilespmem:$0x6610] =	vst v17  }
0x1a: {  	v17 =	vld.idx.msk [tilespmem:v3+s2+$0x0], $0xffff;
	_ =	sdelay $0x4  }
0x1b: {  	v18 =	vshrl.u32 v17, $0x1;
	v17 =	vshll.u32 v17, $0x6  }
0x1c: {  	[tilespmem:$0x6420] =	vst v18;
	v17 =	vand.u32 $0x40, v17  }
0x1d: {  	[tilespmem:$0x6620] =	vst v17  }
0x1e: {  	v17 =	vld.idx.msk [tilespmem:v4+s2+$0x0], $0xffff;
	_ =	sdelay $0x4  }
0x1f: {  	v18 =	vshrl.u32 v17, $0x1;
	v17 =	vshll.u32 v17, $0x6  }
0x20: {  	[tilespmem:$0x6430] =	vst v18;
	v17 =	vand.u32 $0x40, v17  }
0x21: {  	[tilespmem:$0x6630] =	vst v17  }
0x22: {  	v17 =	vld.idx.msk [tilespmem:v5+s2+$0x0], $0xffff;
	_ =	sdelay $0x4  }
0x23: {  	v18 =	vshrl.u32 v17, $0x1;
	v17 =	vshll.u32 v17, $0x6  }
0x24: {  	[tilespmem:$0x6440] =	vst v18;
	v17 =	vand.u32 $0x40, v17  }
0x25: {  	[tilespmem:$0x6640] =	vst v17  }
0x26: {  	v17 =	vld.idx.msk [tilespmem:v6+s2+$0x0], $0xffff;
	_ =	sdelay $0x4  }
0x27: {  	v18 =	vshrl.u32 v17, $0x1;
	v17 =	vshll.u32 v17, $0x6  }
0x28: {  	[tilespmem:$0x6450] =	vst v18;
	v17 =	vand.u32 $0x40, v17  }
0x29: {  	[tilespmem:$0x6650] =	vst v17  }
0x2a: {  	v17 =	vld.idx.msk [tilespmem:v7+s2+$0x0], $0xffff;
	_ =	sdelay $0x4  }
0x2b: {  	v18 =	vshrl.u32 v17, $0x1;
	v17 =	vshll.u32 v17, $0x6  }
0x2c: {  	[tilespmem:$0x6460] =	vst v18;
	v17 =	vand.u32 $0x40, v17  }
0x2d: {  	[tilespmem:$0x6660] =	vst v17  }
0x2e: {  	v17 =	vld.idx.msk [tilespmem:v8+s2+$0x0], $0xffff;
	_ =	sdelay $0x4  }
0x2f: {  	v18 =	vshrl.u32 v17, $0x1;
	v17 =	vshll.u32 v17, $0x6  }
0x30: {  	[tilespmem:$0x6470] =	vst v18;
	v17 =	vand.u32 $0x40, v17  }
0x31: {  	[tilespmem:$0x6670] =	vst v17  }
0x32: {  	v17 =	vld.idx.msk [tilespmem:v9+s2+$0x0], $0xffff;
	_ =	sdelay $0x4  }
0x33: {  	v18 =	vshrl.u32 v17, $0x1;
	v17 =	vshll.u32 v17, $0x6  }
0x34: {  	[tilespmem:$0x6480] =	vst v18;
	v17 =	vand.u32 $0x40, v17  }
0x35: {  	[tilespmem:$0x6680] =	vst v17  }
0x36: {  	v17 =	vld.idx.msk [tilespmem:v10+s2+$0x0], $0xffff;
	_ =	sdelay $0x4  }
0x37: {  	v18 =	vshrl.u32 v17, $0x1;
	v17 =	vshll.u32 v17, $0x6  }
0x38: {  	[tilespmem:$0x6490] =	vst v18;
	v17 =	vand.u32 $0x40, v17  }
0x39: {  	[tilespmem:$0x6690] =	vst v17  }
0x3a: {  	v17 =	vld.idx.msk [tilespmem:v11+s2+$0x0], $0xffff;
	_ =	sdelay $0x4  }
0x3b: {  	v18 =	vshrl.u32 v17, $0x1;
	v17 =	vshll.u32 v17, $0x6  }
0x3c: {  	[tilespmem:$0x64A0] =	vst v18;
	v17 =	vand.u32 $0x40, v17  }
0x3d: {  	[tilespmem:$0x66A0] =	vst v17  }
0x3e: {  	v17 =	vld.idx.msk [tilespmem:v12+s2+$0x0], $0xffff;
	_ =	sdelay $0x4  }
0x3f: {  	v18 =	vshrl.u32 v17, $0x1;
	v17 =	vshll.u32 v17, $0x6  }
0x40: {  	[tilespmem:$0x64B0] =	vst v18;
	v17 =	vand.u32 $0x40, v17  }
0x41: {  	[tilespmem:$0x66B0] =	vst v17  }
0x42: {  	v17 =	vld.idx.msk [tilespmem:v13+s2+$0x0], $0xffff;
	_ =	sdelay $0x4  }
0x43: {  	v18 =	vshrl.u32 v17, $0x1;
	v17 =	vshll.u32 v17, $0x6  }
0x44: {  	[tilespmem:$0x64B8] =	vst v18;
	v17 =	vand.u32 $0x40, v17  }
0x45: {  	s25 =	simm.s32 $0x0;
	[tilespmem:$0x66B8] =	vst v17  }
0x46: {  	[tilespmem:s13], [sflag:$0x1] =	stream.indirect.gather [hbm4b:s3+s11], $0x80, s12, s11, $0xb8;
	[tilespmem:$0x1F800] =	vst v63  }
.LBB2_2:
0x47: {  	s26 =	sshllo.u32 s25, $0x1  }
0x48: {  	v17 =	vmov s26  }
0x49: {  	v17 =	vand.u32 $0x7F, v17  }
0x4a: {  	v17 =	vbroadcast v17, $0x0;
	_ =	sdelay $0x1  }
0x4b: {  	v18 =	vor.u32 v1, v17;
	_ =	sdelay $0x4  }
0x4c: {  	v18 =	vld.idx.msk [tilespmem:v18+s2+$0x0], $0xffff;
	_ =	sdelay $0x2  }
0x4d: {  	v19 =	vor.u32 v2, v17;
	_ =	sdelay $0x1  }
0x4e: {  	v20 =	vshrl.u32 v18, $0x1;
	v18 =	vshll.u32 v18, $0x6  }
0x4f: {  	[tilespmem:$0x6500] =	vst v20;
	v18 =	vand.u32 $0x40, v18  }
0x50: {  	[tilespmem:$0x6700] =	vst v18  }
0x51: {  	v18 =	vld.idx.msk [tilespmem:v19+s2+$0x0], $0xffff;
	_ =	sdelay $0x2  }
0x52: {  	v19 =	vor.u32 v3, v17;
	_ =	sdelay $0x1  }
0x53: {  	v20 =	vshrl.u32 v18, $0x1;
	v18 =	vshll.u32 v18, $0x6  }
0x54: {  	[tilespmem:$0x6510] =	vst v20;
	v18 =	vand.u32 $0x40, v18  }
0x55: {  	[tilespmem:$0x6710] =	vst v18  }
0x56: {  	v18 =	vld.idx.msk [tilespmem:v19+s2+$0x0], $0xffff;
	_ =	sdelay $0x2  }
0x57: {  	v19 =	vor.u32 v4, v17;
	_ =	sdelay $0x1  }
0x58: {  	v20 =	vshrl.u32 v18, $0x1;
	v18 =	vshll.u32 v18, $0x6  }
0x59: {  	[tilespmem:$0x6520] =	vst v20;
	v18 =	vand.u32 $0x40, v18  }
0x5a: {  	[tilespmem:$0x6720] =	vst v18  }
0x5b: {  	v18 =	vld.idx.msk [tilespmem:v19+s2+$0x0], $0xffff;
	_ =	sdelay $0x2  }
0x5c: {  	v19 =	vor.u32 v5, v17;
	_ =	sdelay $0x1  }
0x5d: {  	v20 =	vshrl.u32 v18, $0x1;
	v18 =	vshll.u32 v18, $0x6  }
0x5e: {  	[tilespmem:$0x6530] =	vst v20;
	v18 =	vand.u32 $0x40, v18  }
0x5f: {  	[tilespmem:$0x6730] =	vst v18  }
0x60: {  	v18 =	vld.idx.msk [tilespmem:v19+s2+$0x0], $0xffff;
	_ =	sdelay $0x2  }
0x61: {  	v19 =	vor.u32 v6, v17;
	_ =	sdelay $0x1  }
0x62: {  	v20 =	vshrl.u32 v18, $0x1;
	v18 =	vshll.u32 v18, $0x6  }
0x63: {  	[tilespmem:$0x6540] =	vst v20;
	v18 =	vand.u32 $0x40, v18  }
0x64: {  	[tilespmem:$0x6740] =	vst v18  }
0x65: {  	v18 =	vld.idx.msk [tilespmem:v19+s2+$0x0], $0xffff;
	_ =	sdelay $0x2  }
0x66: {  	v19 =	vor.u32 v7, v17;
	_ =	sdelay $0x1  }
0x67: {  	v20 =	vshrl.u32 v18, $0x1;
	v18 =	vshll.u32 v18, $0x6  }
0x68: {  	[tilespmem:$0x6550] =	vst v20;
	v18 =	vand.u32 $0x40, v18  }
0x69: {  	[tilespmem:$0x6750] =	vst v18  }
0x6a: {  	v18 =	vld.idx.msk [tilespmem:v19+s2+$0x0], $0xffff;
	_ =	sdelay $0x2  }
0x6b: {  	v19 =	vor.u32 v8, v17;
	_ =	sdelay $0x1  }
0x6c: {  	v20 =	vshrl.u32 v18, $0x1;
	v18 =	vshll.u32 v18, $0x6  }
0x6d: {  	[tilespmem:$0x6560] =	vst v20;
	v18 =	vand.u32 $0x40, v18  }
0x6e: {  	[tilespmem:$0x6760] =	vst v18  }
0x6f: {  	v18 =	vld.idx.msk [tilespmem:v19+s2+$0x0], $0xffff;
	_ =	sdelay $0x2  }
0x70: {  	v19 =	vor.u32 v9, v17;
	_ =	sdelay $0x1  }
0x71: {  	v20 =	vshrl.u32 v18, $0x1;
	v18 =	vshll.u32 v18, $0x6  }
0x72: {  	[tilespmem:$0x6570] =	vst v20;
	v18 =	vand.u32 $0x40, v18  }
0x73: {  	[tilespmem:$0x6770] =	vst v18  }
0x74: {  	v18 =	vld.idx.msk [tilespmem:v19+s2+$0x0], $0xffff;
	_ =	sdelay $0x2  }
0x75: {  	v19 =	vor.u32 v10, v17;
	_ =	sdelay $0x1  }
0x76: {  	v20 =	vshrl.u32 v18, $0x1;
	v18 =	vshll.u32 v18, $0x6  }
0x77: {  	[tilespmem:$0x6580] =	vst v20;
	v18 =	vand.u32 $0x40, v18  }
0x78: {  	[tilespmem:$0x6780] =	vst v18  }
0x79: {  	v18 =	vld.idx.msk [tilespmem:v19+s2+$0x0], $0xffff;
	_ =	sdelay $0x2  }
0x7a: {  	v19 =	vor.u32 v11, v17;
	_ =	sdelay $0x1  }
0x7b: {  	v20 =	vshrl.u32 v18, $0x1;
	v18 =	vshll.u32 v18, $0x6  }
0x7c: {  	[tilespmem:$0x6590] =	vst v20;
	v18 =	vand.u32 $0x40, v18  }
0x7d: {  	[tilespmem:$0x6790] =	vst v18  }
0x7e: {  	v18 =	vld.idx.msk [tilespmem:v19+s2+$0x0], $0xffff;
	_ =	sdelay $0x2  }
0x7f: {  	v19 =	vor.u32 v12, v17;
	_ =	sdelay $0x1  }
0x80: {  	v20 =	vshrl.u32 v18, $0x1;
	v18 =	vshll.u32 v18, $0x6  }
0x81: {  	[tilespmem:$0x65A0] =	vst v20;
	v18 =	vand.u32 $0x40, v18  }
0x82: {  	[tilespmem:$0x67A0] =	vst v18  }
0x83: {  	v18 =	vld.idx.msk [tilespmem:v19+s2+$0x0], $0xffff;
	_ =	sdelay $0x2  }
0x84: {  	v17 =	vor.u32 v13, v17;
	_ =	sdelay $0x1  }
0x85: {  	v19 =	vshrl.u32 v18, $0x1;
	v18 =	vshll.u32 v18, $0x6  }
0x86: {  	[tilespmem:$0x65B0] =	vst v19;
	v18 =	vand.u32 $0x40, v18  }
0x87: {  	[tilespmem:$0x67B0] =	vst v18  }
0x88: {  	v17 =	vld.idx.msk [tilespmem:v17+s2+$0x0], $0xffff;
	_ =	sdelay $0x4  }
0x89: {  	v18 =	vshrl.u32 v17, $0x1;
	v17 =	vshll.u32 v17, $0x6  }
0x8a: {  	p0 =	seq.s32 s25, $0x0;
	[tilespmem:$0x65B8] =	vst v18;
	v17 =	vand.u32 $0x40, v17  }
0x8b: {  	s0 =	simm.s32 @!p0 $0x4;
	[tilespmem:$0x67B8] =	vst v17  }
0x8c: {  	_ =	swait.ge @!p0 [sflag:s0], $0x6400  }
0x8d: {  	s28 =	simm.s32 $0x3;
	[sflag:s0] =	ssyncset.done @!p0 $0x0  }
0x8e: {  	s1 =	simm.s32 $0x6;
	v17 =	vmov s28;
	s28 =	simm.s32 $0x7;
	[sflag:s0] =	ssyncadd.s32 @!p0 $0xFFFF9C00  }
0x8f: {  	v19 =	vmov s1;
	[tilespmem:s15], [sflag:$0x2] =	stream.indirect.gather [hbm4b:s3+s11], $0x80, s14, s11, $0xb8;
	[tilespmem:$0x1F800] =	vst v63  }
0x90: {  	s8 =	simm.s32 $0x1;
	v20 =	vmov s28;
	_ =	swait.ge [sflag:s16], $0x6400  }
0x91: {  	s9 =	simm.s32 $0x5;
	v26 =	vmov s8;
	s28 =	simm.s32 $0x2;
	[sflag:s16] =	ssyncset.done $0x0  }
0x92: {  	v30 =	vmov s9;
	v27 =	vmov s28;
	s28 =	simm.s32 $0x0;
	[sflag:s16] =	ssyncadd.s32 $0xFFFF9C00  }
0x93: {  	v34 =	vmov s28;
	v24 =	vld.idx.msk [tilespmem:v17+s17+$0x0], $0xffff  }
0x94: {  	v21 =	vld.idx.msk [tilespmem:v19+s17+$0x0], $0xffff  }
0x95: {  	s29 =	simm.s32 $0x4;
	v25 =	vld.idx.msk [tilespmem:v20+s17+$0x0], $0xffff  }
0x96: {  	v29 =	vmov s29;
	v28 =	vshll.u32 v30, $0x7;
	v31 =	vld.idx.msk [tilespmem:v26+s17+$0x0], $0xffff  }
0x97: {  	v22 =	vshll.u32 v17, $0x7;
	v23 =	vshll.u32 v20, $0x7;
	v18 =	vshll.u32 v27, $0x7;
	v42 =	vld.idx.msk [tilespmem:v30+s17+$0x0], $0xffff  }
0x98: {  	v36 =	vshll.u32 v34, $0x7;
	v17 =	vshll.u32 v26, $0x7;
	v20 =	vshll.u32 v29, $0x7;
	v45 =	vld.idx.msk [tilespmem:v34+s17+$0x0], $0xffff  }
0x99: {  	v19 =	vshll.u32 v19, $0x7;
	v32 =	vld.idx.msk [tilespmem:v27+s17+$0x0], $0xffff;
	v33 =	vadd.s32 v15, v24;
	v35 =	vadd.s32 v0, v24  }
0x9a: {  	v38 =	vadd.s32 v14, v24;
	v24 =	vadd.s32 v16, v24;
	v61 =	vadd.s32 v0, v21  }
0x9b: {  	v39 =	vadd.s32 v15, v25;
	v44 =	vadd.s32 v14, v21;
	v63 =	vadd.s32 v0, v25  }
0x9c: {  	v47 =	vadd.s32 v14, v31;
	v48 =	vadd.s32 v15, v31;
	v49 =	vadd.s32 v15, v21  }
0x9d: {  	v59 =	vadd.s32 v0, v42;
	v50 =	vadd.s32 v14, v42;
	v53 =	vadd.s32 v0, v45  }
0x9e: {  	v55 =	vadd.s32 v14, v45;
	v58 =	vadd.s32 v14, v32;
	v27 =	vand.u32 $0xFFFFFF80, v33  }
0x9f: {  	v37 =	vand.u32 $0xFFFFFF80, v35;
	v26 =	vand.u32 $0x7F, v35;
	v40 =	vand.u32 $0xFFFFFF80, v61  }
0xa0: {  	v41 =	vand.u32 $0xFFFFFF80, v39;
	v35 =	vand.u32 $0x7F, v61;
	v51 =	vand.u32 $0xFFFFFF80, v59  }
0xa1: {  	v52 =	vand.u32 $0xFFFFFF80, v50;
	v61 =	vand.u32 $0xFFFFFF80, v53;
	v56 =	vand.u32 $0xFFFFFF80, v63  }
0xa2: {  	v53 =	vand.u32 $0x7F, v53;
	v57 =	vand.u32 $0xFFFFFF80, v55;
	v55 =	vand.u32 $0x7F, v55  }
0xa3: {  	v50 =	vand.u32 $0x7F, v50;
	v37 =	vadd.s32 v22, v37;
	v30 =	vadd.s32 v19, v40  }
0xa4: {  	v40 =	vand.u32 $0xFFFFFF80, v38;
	v60 =	vadd.s32 v28, v51;
	v51 =	vadd.s32 v36, v61  }
0xa5: {  	v38 =	vand.u32 $0x7F, v38;
	v56 =	vadd.s32 v23, v56;
	v57 =	vadd.s32 v36, v57  }
0xa6: {  	v41 =	vadd.s32 v23, v41;
	v52 =	vadd.s32 v28, v52;
	v37 =	vor.u32 v26, v37  }
0xa7: {  	v26 =	vadd.s32 v22, v27;
	v43 =	vor.u32 v35, v30;
	v27 =	vadd.s32 v0, v32  }
0xa8: {  	v30 =	vadd.s32 v0, v31;
	v51 =	vor.u32 v53, v51;
	v53 =	vadd.s32 v14, v25  }
0xa9: {  	v55 =	vor.u32 v55, v57;
	v40 =	vadd.s32 v22, v40;
	v35 =	vand.u32 $0x7F, v63  }
0xaa: {  	v57 =	vadd.s32 v15, v45;
	v50 =	vor.u32 v50, v52;
	v46 =	vand.u32 $0xFFFFFF80, v30  }
0xab: {  	v45 =	vadd.s32 v16, v45;
	v30 =	vand.u32 $0x7F, v30;
	v46 =	vadd.s32 v17, v46  }
0xac: {  	v31 =	vadd.s32 v16, v31;
	v62 =	vand.u32 $0xFFFFFF80, v27;
	v30 =	vor.u32 v30, v46  }
0xad: {  	v27 =	vand.u32 $0x7F, v27;
	v56 =	vor.u32 v35, v56;
	v35 =	vand.u32 $0x7F, v57  }
0xae: {  	v52 =	vand.u32 $0x7F, v53;
	v54 =	vadd.s32 v18, v62;
	v62 =	vand.u32 $0xFFFFFF80, v58  }
0xaf: {  	v58 =	vand.u32 $0x7F, v58;
	v46 =	vand.u32 $0x7F, v59;
	v59 =	vand.u32 $0xFFFFFF80, v53  }
0xb0: {  	v34 =	vadd.s32 v18, v62;
	v46 =	vor.u32 v46, v60;
	v60 =	vand.u32 $0xFFFFFF80, v47  }
0xb1: {  	v54 =	vor.u32 v27, v54;
	v47 =	vand.u32 $0x7F, v47;
	v60 =	vadd.s32 v17, v60;
	v30 =	vld.idx.msk [tilespmem:v30+s13+$0x0], $0xffff  }
0xb2: {  	v53 =	vand.u32 $0x7F, v48;
	v62 =	vand.u32 $0xFFFFFF80, v45;
	v51 =	vld.idx.msk [tilespmem:v51+s13+$0x0], $0xffff;
	v47 =	vor.u32 v47, v60  }
0xb3: {  	v27 =	vld.idx.msk [tilespmem:v29+s17+$0x0], $0xffff;
	v45 =	vand.u32 $0x7F, v45;
	v34 =	vor.u32 v58, v34;
	v58 =	vand.u32 $0xFFFFFF80, v57  }
0xb4: {  	v59 =	vadd.s32 v23, v59;
	v58 =	vadd.s32 v36, v58;
	v37 =	vld.idx.msk [tilespmem:v37+s13+$0x0], $0xffff;
	v60 =	vadd.s32 v15, v32  }
0xb5: {  	s28 =	simm.s32 $0x13200;
	v36 =	vadd.s32 v36, v62;
	v61 =	vand.u32 $0xFFFFFF80, v60;
	v29 =	vand.u32 $0x7F, v60  }
0xb6: {  	v60 =	vand.u32 $0xFFFFFF80, v44;
	v44 =	vand.u32 $0x7F, v44;
	v57 =	vadd.s32 v18, v61;
	v46 =	vld.idx.msk [tilespmem:v46+s13+$0x0], $0xffff;
	[tilespmem:s28+$0xFFFFFE80] =	vst v30  }
0xb7: {  	[tilespmem:s28+$0xFFFFFE00] =	vst v51;
	v51 =	vor.u32 v52, v59;
	v30 =	vor.u32 v29, v57;
	v29 =	vand.u32 $0x7F, v39;
	v63 =	vld.idx.msk [tilespmem:v47+s13+$0x0], $0xffff  }
0xb8: {  	v59 =	vadd.s32 v0, v27;
	v47 =	vor.u32 v35, v58;
	v35 =	vor.u32 v29, v41;
	v29 =	vld.idx.msk [tilespmem:v56+s13+$0x0], $0xffff  }
0xb9: {  	[tilespmem:s28+$0xFFFFFF80] =	vst v37;
	v37 =	vand.u32 $0x7F, v49;
	v52 =	vld.idx.msk [tilespmem:v55+s13+$0x0], $0xffff;
	v61 =	vand.u32 $0xFFFFFF80, v59;
	v55 =	vand.u32 $0x7F, v59  }
0xba: {  	v39 =	vor.u32 v45, v36;
	v36 =	vld.idx.msk [tilespmem:v54+s13+$0x0], $0xffff;
	v54 =	vor.u32 v38, v40;
	v58 =	vand.u32 $0xFFFFFF80, v48  }
0xbb: {  	v57 =	vadd.s32 v16, v42;
	v42 =	vadd.s32 v15, v42;
	[tilespmem:s28+$0x80] =	vst v46;
	v41 =	vadd.s32 v17, v58  }
0xbc: {  	v43 =	vld.idx.msk [tilespmem:v43+s13+$0x0], $0xffff;
	v45 =	vand.u32 $0x7F, v33;
	v41 =	vor.u32 v53, v41;
	v53 =	vadd.s32 v20, v61;
	[tilespmem:s28+$0xFFFFFE90] =	vst v63  }
0xbd: {  	v48 =	vand.u32 $0x7F, v42;
	v46 =	vld.idx.msk [tilespmem:v50+s13+$0x0], $0xffff;
	v53 =	vor.u32 v55, v53;
	v63 =	vadd.s32 v19, v60;
	[tilespmem:s28+$0x180] =	vst v29  }
0xbe: {  	v42 =	vand.u32 $0xFFFFFF80, v42;
	v56 =	vadd.s32 v14, v27;
	v51 =	vld.idx.msk [tilespmem:v51+s13+$0x0], $0xffff;
	v60 =	vor.u32 v44, v63  }
0xbf: {  	v62 =	vand.u32 $0x7F, v57;
	v58 =	vadd.s32 v28, v42;
	[tilespmem:s28+$0xFFFFFE10] =	vst v52;
	v61 =	vand.u32 $0xFFFFFF80, v57;
	v42 =	vld.idx.msk [tilespmem:v54+s13+$0x0], $0xffff  }
0xc0: {  	v59 =	vand.u32 $0xFFFFFF80, v56;
	v40 =	vor.u32 v48, v58;
	v28 =	vadd.s32 v28, v61;
	v44 =	vld.idx.msk [tilespmem:v47+s13+$0x0], $0xffff  }
0xc1: {  	v38 =	vand.u32 $0x7F, v56;
	[tilespmem:s28+$0xFFFFFF00] =	vst v36;
	v36 =	vadd.s32 v16, v32;
	v32 =	vor.u32 v62, v28;
	v29 =	vld.idx.msk [tilespmem:v41+s13+$0x0], $0xffff  }
0xc2: {  	[tilespmem:s28+$0x100] =	vst v43;
	v33 =	vand.u32 $0xFFFFFF80, v36;
	v63 =	vand.u32 $0xFFFFFF80, v49;
	v41 =	vadd.s32 v20, v59;
	v43 =	vld.idx.msk [tilespmem:v53+s13+$0x0], $0xffff  }
0xc3: {  	s30 =	simm.s32 $0x8;
	s31 =	simm.s32 $0x13600;
	s29 =	sshll.u32 s25, $0x1;
	v47 =	vand.u32 $0xFFFFFF80, v24;
	v41 =	vor.u32 v38, v41;
	v38 =	vadd.s32 v19, v63;
	v28 =	vld.idx.msk [tilespmem:v60+s13+$0x0], $0xffff;
	[tilespmem:s28+$0x190] =	vst v51  }
.LBB2_3:
0xc4: {  	s1 =	sadd.s32 $0x1, s30  }
0xc5: {  	s8 =	sadd.s32 $0x2, s30;
	s9 =	sadd.s32 $0x3, s30;
	v34 =	vld.idx.msk [tilespmem:v34+s13+$0x0], $0xffff;
	v47 =	vadd.s32 v22, v47;
	v48 =	vadd.s32 v15, v27;
	v25 =	vadd.s32 v16, v25;
	s0 =	smov.u32 s30  }
0xc6: {  	v49 =	vmov s1;
	v50 =	vmov s8;
	v51 =	vmov s9;
	s1 =	sadd.s32 $0x4, s30;
	s8 =	sadd.s32 $0x5, s30;
	s9 =	sadd.s32 $0x6, s30;
	[tilespmem:s28+$0xFFFFFE20] =	vst v44  }
0xc7: {  	p0 =	slt.u32 s30, $0xC0;
	s30 =	sadd.s32 $0x8, s30;
	v53 =	vand.u32 $0xFFFFFF80, v48;
	v44 =	vmov s1;
	v52 =	vmov s8;
	s1 =	sadd.s32 $0x7, s0;
	v39 =	vld.idx.msk [tilespmem:v39+s13+$0x0], $0xffff  }
0xc8: {  	v22 =	vshll.u32 v51, $0x7;
	v54 =	vmov s9;
	v55 =	vmov s1;
	[tilespmem:s28+$0x90] =	vst v46;
	v35 =	vld.idx.msk [tilespmem:v35+s13+$0x0], $0xffff  }
0xc9: {  	v26 =	vor.u32 v45, v26;
	v45 =	vand.u32 $0xFFFFFF80, v25;
	[tilespmem:s28+$0x0] =	vst v43;
	v43 =	vadd.s32 v20, v53;
	v40 =	vld.idx.msk [tilespmem:v40+s13+$0x0], $0xffff  }
0xca: {  	v27 =	vadd.s32 v16, v27;
	v23 =	vadd.s32 v23, v45;
	v46 =	vand.u32 $0xFFFFFF80, v31;
	v41 =	vld.idx.msk [tilespmem:v41+s13+$0x0], $0xffff;
	[tilespmem:s28+$0x110] =	vst v28  }
0xcb: {  	v21 =	vadd.s32 v16, v21;
	v28 =	vld.idx.msk [tilespmem:v49+s17+$0x0], $0xffff;
	[tilespmem:s28+$0xFFFFFF10] =	vst v34;
	v34 =	vand.u32 $0xFFFFFF80, v27;
	v27 =	vand.u32 $0x7F, v27  }
0xcc: {  	v30 =	vld.idx.msk [tilespmem:v30+s13+$0x0], $0xffff;
	[tilespmem:s28+$0xFFFFFF90] =	vst v42;
	v42 =	vand.u32 $0x7F, v48;
	v34 =	vadd.s32 v20, v34;
	v20 =	vand.u32 $0xFFFFFF80, v21  }
0xcd: {  	v24 =	vand.u32 $0x7F, v24;
	v25 =	vand.u32 $0x7F, v25;
	v45 =	vld.idx.msk [tilespmem:v51+s17+$0x0], $0xffff;
	[tilespmem:s28+$0xFFFFFE30] =	vst v39;
	v39 =	vor.u32 v42, v43  }
0xce: {  	v21 =	vand.u32 $0x7F, v21;
	v42 =	vor.u32 v24, v47;
	v43 =	vor.u32 v25, v23;
	v26 =	vld.idx.msk [tilespmem:v26+s13+$0x0], $0xffff;
	[tilespmem:s28+$0x1A0] =	vst v35  }
0xcf: {  	v37 =	vor.u32 v37, v38;
	v24 =	vand.u32 $0x7F, v36;
	v19 =	vadd.s32 v19, v20;
	v25 =	vld.idx.msk [tilespmem:v55+s17+$0x0], $0xffff;
	[tilespmem:s28+$0xA0] =	vst v40  }
0xd0: {  	v38 =	vshll.u32 v49, $0x7;
	v20 =	vshll.u32 v50, $0x7;
	[tilespmem:s28+$0x10] =	vst v41;
	v40 =	vld.idx.msk [tilespmem:v32+s13+$0x0], $0xffff;
	v41 =	vor.u32 v21, v19  }
0xd1: {  	v23 =	vshll.u32 v55, $0x7;
	v47 =	vand.u32 $0x7F, v31;
	v19 =	vadd.s32 v18, v33;
	v18 =	vmovc v20;
	v21 =	vld.idx.msk [tilespmem:v54+s17+$0x0], $0xffff  }
0xd2: {  	v48 =	vmov s0;
	v32 =	vshll.u32 v52, $0x7;
	v31 =	vld.idx.msk [tilespmem:v50+s17+$0x0], $0xffff;
	[tilespmem:s28+$0xFFFFFF20] =	vst v30;
	v30 =	vor.u32 v24, v19  }
0xd3: {  	v20 =	vshll.u32 v44, $0x7;
	v33 =	vadd.s32 v15, v45;
	v19 =	vshll.u32 v54, $0x7;
	v35 =	vld.idx.msk [tilespmem:v52+s17+$0x0], $0xffff  }
0xd4: {  	v36 =	vshll.u32 v48, $0x7;
	v24 =	vadd.s32 v0, v45;
	v49 =	vand.u32 $0xFFFFFF80, v33;
	[tilespmem:s28+$0xFFFFFFA0] =	vst v26;
	v37 =	vld.idx.msk [tilespmem:v37+s13+$0x0], $0xffff  }
0xd5: {  	v46 =	vadd.s32 v17, v46;
	v17 =	vmovc v38;
	v50 =	vadd.s32 v14, v45;
	v26 =	vand.u32 $0xFFFFFF80, v24;
	v39 =	vld.idx.msk [tilespmem:v39+s13+$0x0], $0xffff  }
0xd6: {  	v34 =	vor.u32 v27, v34;
	v38 =	vand.u32 $0x7F, v24;
	v24 =	vadd.s32 v16, v45;
	v42 =	vld.idx.msk [tilespmem:v42+s13+$0x0], $0xffff;
	[tilespmem:s28+$0xB0] =	vst v40  }
0xd7: {  	v46 =	vor.u32 v47, v46;
	v45 =	vadd.s32 v15, v25;
	v40 =	vadd.s32 v0, v21;
	v43 =	vld.idx.msk [tilespmem:v43+s13+$0x0], $0xffff  }
0xd8: {  	v26 =	vadd.s32 v22, v26;
	v51 =	vand.u32 $0xFFFFFF80, v45;
	v47 =	vand.u32 $0xFFFFFF80, v40;
	[tilespmem:s28+$0xFFFFFEA0] =	vst v29;
	v30 =	vld.idx.msk [tilespmem:v30+s13+$0x0], $0xffff  }
0xd9: {  	v29 =	vor.u32 v38, v26;
	v38 =	vand.u32 $0x7F, v40;
	v40 =	vadd.s32 v19, v47;
	v27 =	vld.idx.msk [tilespmem:v44+s17+$0x0], $0xffff  }
0xda: {  	v47 =	vand.u32 $0xFFFFFF80, v50;
	v26 =	vadd.s32 v22, v49;
	v40 =	vor.u32 v38, v40;
	v44 =	vld.idx.msk [tilespmem:v48+s17+$0x0], $0xffff;
	[tilespmem:s28+$0x120] =	vst v37  }
0xdb: {  	v38 =	vadd.s32 v14, v21;
	v48 =	vadd.s32 v0, v31;
	[tilespmem:s28+$0x20] =	vst v39;
	v39 =	vld.idx.msk [tilespmem:v41+s13+$0x0], $0xffff  }
0xdc: {  	v49 =	vadd.s32 v0, v25;
	v37 =	vadd.s32 v0, v28;
	v41 =	vand.u32 $0xFFFFFF80, v48;
	[tilespmem:s28+$0xFFFFFFB0] =	vst v42;
	v34 =	vld.idx.msk [tilespmem:v34+s13+$0x0], $0xffff  }
0xdd: {  	v53 =	vadd.s32 v15, v28;
	v52 =	vadd.s32 v14, v28;
	v42 =	vand.u32 $0xFFFFFF80, v37;
	v46 =	vld.idx.msk [tilespmem:v46+s13+$0x0], $0xffff;
	[tilespmem:s28+$0x1B0] =	vst v43  }
0xde: {  	v43 =	vand.u32 $0x7F, v37;
	v42 =	vadd.s32 v17, v42;
	v37 =	vadd.s32 v15, v21;
	[tilespmem:s28+$0xFFFFFF30] =	vst v30  }
0xdf: {  	v30 =	vor.u32 v43, v42;
	v42 =	vadd.s32 v0, v35;
	v43 =	vadd.s32 v14, v35  }
0xe0: {  	v54 =	vand.u32 $0xFFFFFF80, v42;
	v42 =	vand.u32 $0x7F, v42;
	v55 =	vand.u32 $0xFFFFFF80, v43  }
0xe1: {  	v41 =	vadd.s32 v18, v41;
	v56 =	vadd.s32 v0, v44;
	v54 =	vadd.s32 v32, v54;
	[tilespmem:s28+$0x130] =	vst v39  }
0xe2: {  	v58 =	vand.u32 $0xFFFFFF80, v49;
	v57 =	vadd.s32 v14, v44;
	v39 =	vand.u32 $0xFFFFFF80, v56;
	[tilespmem:s28+$0x30] =	vst v34  }
0xe3: {  	v34 =	vand.u32 $0x7F, v56;
	v39 =	vadd.s32 v36, v39;
	v56 =	vand.u32 $0xFFFFFF80, v57;
	[tilespmem:s28+$0xFFFFFEB0] =	vst v46;
	s28 =	smov.u32 s31  }
0xe4: {  	v34 =	vor.u32 v34, v39;
	v39 =	vand.u32 $0x7F, v48;
	v46 =	vadd.s32 v14, v25  }
0xe5: {  	v50 =	vand.u32 $0x7F, v50;
	v48 =	vand.u32 $0x7F, v57;
	v57 =	vadd.s32 v23, v58  }
0xe6: {  	v56 =	vadd.s32 v36, v56;
	v58 =	vadd.s32 v14, v31;
	v59 =	vand.u32 $0xFFFFFF80, v46  }
0xe7: {  	v42 =	vor.u32 v42, v54;
	v48 =	vor.u32 v48, v56;
	v56 =	vand.u32 $0xFFFFFF80, v58  }
0xe8: {  	v47 =	vadd.s32 v22, v47;
	v49 =	vand.u32 $0x7F, v49;
	v54 =	vadd.s32 v18, v56  }
0xe9: {  	v51 =	vadd.s32 v23, v51;
	v60 =	vadd.s32 v15, v44;
	v59 =	vadd.s32 v23, v59;
	v56 =	vld.idx.msk [tilespmem:v34+s13+$0x0], $0xffff  }
0xea: {  	v58 =	vand.u32 $0x7F, v58;
	v34 =	vand.u32 $0xFFFFFF80, v52;
	v52 =	vand.u32 $0x7F, v52;
	v30 =	vld.idx.msk [tilespmem:v30+s13+$0x0], $0xffff  }
0xeb: {  	v43 =	vand.u32 $0x7F, v43;
	v61 =	vadd.s32 v17, v34;
	v34 =	vor.u32 v58, v54  }
0xec: {  	v54 =	vand.u32 $0xFFFFFF80, v60;
	v58 =	vadd.s32 v15, v31;
	v52 =	vor.u32 v52, v61  }
0xed: {  	v49 =	vor.u32 v49, v57;
	v54 =	vadd.s32 v36, v54;
	v61 =	vand.u32 $0xFFFFFF80, v58  }
0xee: {  	v57 =	vand.u32 $0x7F, v60;
	v41 =	vor.u32 v39, v41;
	v39 =	vadd.s32 v32, v55  }
0xef: {  	v55 =	vand.u32 $0x7F, v58;
	[tilespmem:s31+$0xFFFFFE00] =	vst v56;
	v56 =	vor.u32 v43, v39;
	v39 =	vand.u32 $0x7F, v46  }
0xf0: {  	v43 =	vand.u32 $0x7F, v53;
	v46 =	vand.u32 $0xFFFFFF80, v38;
	[tilespmem:s31+$0xFFFFFE80] =	vst v30;
	v30 =	vadd.s32 v18, v61  }
0xf1: {  	v45 =	vand.u32 $0x7F, v45;
	v52 =	vld.idx.msk [tilespmem:v52+s13+$0x0], $0xffff;
	v30 =	vor.u32 v55, v30;
	v55 =	vadd.s32 v16, v35  }
0xf2: {  	v54 =	vor.u32 v57, v54;
	v57 =	vadd.s32 v15, v35;
	v35 =	vor.u32 v45, v51;
	v49 =	vld.idx.msk [tilespmem:v49+s13+$0x0], $0xffff  }
0xf3: {  	v51 =	vand.u32 $0x7F, v57;
	v45 =	vld.idx.msk [tilespmem:v48+s13+$0x0], $0xffff;
	v48 =	vand.u32 $0xFFFFFF80, v53;
	v53 =	vor.u32 v39, v59  }
0xf4: {  	v39 =	vadd.s32 v16, v44;
	v44 =	vadd.s32 v17, v48;
	v48 =	vadd.s32 v0, v27  }
0xf5: {  	v43 =	vor.u32 v43, v44;
	v44 =	vand.u32 $0xFFFFFF80, v48;
	v48 =	vand.u32 $0x7F, v48;
	v58 =	vld.idx.msk [tilespmem:v40+s13+$0x0], $0xffff  }
0xf6: {  	v40 =	vand.u32 $0xFFFFFF80, v39;
	v39 =	vand.u32 $0x7F, v39;
	v44 =	vadd.s32 v20, v44;
	v42 =	vld.idx.msk [tilespmem:v42+s13+$0x0], $0xffff  }
0xf7: {  	v38 =	vand.u32 $0x7F, v38;
	v36 =	vadd.s32 v36, v40;
	[tilespmem:s31+$0xFFFFFE90] =	vst v52;
	v52 =	vld.idx.msk [tilespmem:v29+s13+$0x0], $0xffff;
	v48 =	vor.u32 v48, v44  }
0xf8: {  	v39 =	vor.u32 v39, v36;
	v29 =	vand.u32 $0xFFFFFF80, v57;
	v36 =	vld.idx.msk [tilespmem:v41+s13+$0x0], $0xffff;
	v41 =	vadd.s32 v19, v46;
	[tilespmem:s31+$0x180] =	vst v49  }
0xf9: {  	v47 =	vor.u32 v50, v47;
	v46 =	vadd.s32 v14, v27;
	v40 =	vadd.s32 v32, v29;
	v49 =	vld.idx.msk [tilespmem:v53+s13+$0x0], $0xffff  }
0xfa: {  	v40 =	vor.u32 v51, v40;
	v50 =	vor.u32 v38, v41;
	[tilespmem:s31+$0xFFFFFE10] =	vst v45;
	v29 =	vld.idx.msk [tilespmem:v43+s13+$0x0], $0xffff;
	v43 =	vand.u32 $0xFFFFFF80, v46  }
.Ltmp0:
0xfb: {  	v38 =	vand.u32 $0x7F, v46;
	v51 =	vand.u32 $0xFFFFFF80, v55;
	v44 =	vld.idx.msk [tilespmem:v54+s13+$0x0], $0xffff;
	v41 =	vadd.s32 v20, v43;
	[tilespmem:s31+$0x100] =	vst v58;
	(pc) =	sbr.rel @p0 .LBB2_3-.Ltmp0, $4  }
0xfc: {  	v43 =	vld.idx.msk [tilespmem:v48+s13+$0x0], $0xffff;
	v41 =	vor.u32 v38, v41;
	[tilespmem:s31+$0x80] =	vst v42;
	v48 =	vand.u32 $0x7F, v55;
	v38 =	vand.u32 $0xFFFFFF80, v37  }
0xfd: {  	v45 =	vand.u32 $0x7F, v33;
	v32 =	vadd.s32 v32, v51;
	[tilespmem:s31+$0xFFFFFF80] =	vst v52;
	v46 =	vld.idx.msk [tilespmem:v56+s13+$0x0], $0xffff;
	v38 =	vadd.s32 v19, v38  }
0xfe: {  	v32 =	vor.u32 v48, v32;
	[tilespmem:s31+$0xFFFFFF00] =	vst v36;
	v36 =	vadd.s32 v16, v31;
	v42 =	vld.idx.msk [tilespmem:v47+s13+$0x0], $0xffff;
	v47 =	vand.u32 $0xFFFFFF80, v24  }
0xff: {  	v37 =	vand.u32 $0x7F, v37;
	v31 =	vadd.s32 v16, v28;
	s31 =	sadd.s32 $0x400, s31;
	v33 =	vand.u32 $0xFFFFFF80, v36;
	v28 =	vld.idx.msk [tilespmem:v50+s13+$0x0], $0xffff;
	[tilespmem:s28+$0x190] =	vst v49  }
0x100: {  	_ =	sdelay $0x2  }
0x101: {  	[tilespmem:s28+$0xFFFFFE20] =	vst v44;
	v49 =	vadd.s32 v15, v27;
	v26 =	vor.u32 v45, v26  }
0x102: {  	v34 =	vld.idx.msk [tilespmem:v34+s13+$0x0], $0xffff;
	v25 =	vadd.s32 v16, v25;
	v22 =	vadd.s32 v22, v47;
	v53 =	vand.u32 $0xFFFFFF80, v31;
	[tilespmem:s28+$0xFFFFFEA0] =	vst v29  }
0x103: {  	v35 =	vld.idx.msk [tilespmem:v35+s13+$0x0], $0xffff;
	v37 =	vor.u32 v37, v38;
	v55 =	vadd.s32 v16, v27;
	v63 =	vand.u32 $0x7F, v31;
	[tilespmem:s28+$0x0] =	vst v43  }
0x104: {  	v39 =	vld.idx.msk [tilespmem:v39+s13+$0x0], $0xffff;
	v50 =	vand.u32 $0xFFFFFF80, v49;
	v52 =	vand.u32 $0xFFFFFF80, v25;
	v17 =	vadd.s32 v17, v53;
	[tilespmem:s28+$0x90] =	vst v46  }
0x105: {  	v54 =	vand.u32 $0x7F, v49;
	v51 =	vadd.s32 v20, v50;
	v41 =	vld.idx.msk [tilespmem:v41+s13+$0x0], $0xffff;
	v17 =	vor.u32 v63, v17;
	[tilespmem:s28+$0xFFFFFF90] =	vst v42  }
0x106: {  	v25 =	vand.u32 $0x7F, v25;
	v23 =	vadd.s32 v23, v52;
	v40 =	vld.idx.msk [tilespmem:v40+s13+$0x0], $0xffff;
	[tilespmem:s28+$0x110] =	vst v28;
	v28 =	vor.u32 v54, v51  }
0x107: {  	v21 =	vadd.s32 v16, v21;
	v23 =	vor.u32 v25, v23;
	[tilespmem:s28+$0xFFFFFF10] =	vst v34;
	v26 =	vld.idx.msk [tilespmem:v26+s13+$0x0], $0xffff  }
0x108: {  	v24 =	vand.u32 $0x7F, v24;
	v58 =	vand.u32 $0x7F, v36;
	v57 =	vand.u32 $0xFFFFFF80, v21;
	v60 =	vld.idx.msk [tilespmem:v37+s13+$0x0], $0xffff;
	[tilespmem:s28+$0x1A0] =	vst v35  }
0x109: {  	v22 =	vor.u32 v24, v22;
	v21 =	vand.u32 $0x7F, v21;
	v19 =	vadd.s32 v19, v57;
	v30 =	vld.idx.msk [tilespmem:v30+s13+$0x0], $0xffff;
	[tilespmem:s28+$0xFFFFFE30] =	vst v39  }
0x10a: {  	v18 =	vadd.s32 v18, v33;
	v56 =	vand.u32 $0xFFFFFF80, v55;
	v19 =	vor.u32 v21, v19;
	[tilespmem:s28+$0x10] =	vst v41;
	v17 =	vld.idx.msk [tilespmem:v17+s13+$0x0], $0xffff  }
0x10b: {  	v18 =	vor.u32 v58, v18;
	v27 =	vand.u32 $0x7F, v55;
	v61 =	vadd.s32 v20, v56;
	[tilespmem:s28+$0xA0] =	vst v40;
	v62 =	vld.idx.msk [tilespmem:v28+s13+$0x0], $0xffff  }
0x10c: {  	v20 =	vor.u32 v27, v61;
	v23 =	vld.idx.msk [tilespmem:v23+s13+$0x0], $0xffff;
	[tilespmem:s28+$0xFFFFFFA0] =	vst v26  }
0x10d: {  	v59 =	vld.idx.msk [tilespmem:v32+s13+$0x0], $0xffff;
	[tilespmem:s28+$0x120] =	vst v60  }
0x10e: {  	[tilespmem:s28+$0xFFFFFF20] =	vst v30;
	v22 =	vld.idx.msk [tilespmem:v22+s13+$0x0], $0xffff  }
0x10f: {  	v19 =	vld.idx.msk [tilespmem:v19+s13+$0x0], $0xffff;
	[tilespmem:s28+$0xFFFFFEB0] =	vst v17  }
0x110: {  	v18 =	vld.idx.msk [tilespmem:v18+s13+$0x0], $0xffff;
	[tilespmem:s28+$0x20] =	vst v62  }
0x111: {  	[tilespmem:s28+$0x1B0] =	vst v23;
	v20 =	vld.idx.msk [tilespmem:v20+s13+$0x0], $0xffff  }
0x112: {  	p0 =	seq.s32 s25, $0x3F;
	[tilespmem:s28+$0xB0] =	vst v59  }
.Ltmp1:
0x113: {  	s0 =	sadd.s32 s4, s29;
	[tilespmem:s28+$0xFFFFFFB0] =	vst v22;
	(pc) =	sbr.rel @p0 .LBB2_6-.Ltmp1, $4  }
0x114: {  	s0 =	smul.u32 $0xC80, s0;
	[tilespmem:s28+$0x130] =	vst v19  }
0x115: {  	[tilespmem:s28+$0xFFFFFF30] =	vst v18  }
0x116: {  	s0 =	sadd.s32 s5, s0;
	[tilespmem:s28+$0x30] =	vst v20  }
0x117: {  	[hbm4b:s0+s2] =	stream.linear.scatter [tilespmem:s18], [sflag:$0x3], $0x6400, $0x38;
	[tilespmem:$0x1F800] =	vst v63  }
0x118: {  	s0 =	sadd.s32 $0x2, s29  }
0x119: {  	v17 =	vmov s0  }
0x11a: {  	v17 =	vand.u32 $0xFE, v17  }
0x11b: {  	v18 =	vadd.s32 v1, v17;
	_ =	sdelay $0x4  }
0x11c: {  	v18 =	vld.idx.msk [tilespmem:v18+s2+$0x0], $0xffff;
	_ =	sdelay $0x2  }
0x11d: {  	v19 =	vadd.s32 v2, v17;
	_ =	sdelay $0x1  }
0x11e: {  	v20 =	vshrl.u32 v18, $0x1;
	v18 =	vshll.u32 v18, $0x6  }
0x11f: {  	[tilespmem:$0x6400] =	vst v20;
	v18 =	vand.u32 $0x40, v18  }
0x120: {  	[tilespmem:$0x6600] =	vst v18  }
0x121: {  	v18 =	vld.idx.msk [tilespmem:v19+s2+$0x0], $0xffff;
	_ =	sdelay $0x2  }
0x122: {  	v19 =	vadd.s32 v3, v17;
	_ =	sdelay $0x1  }
0x123: {  	v54 =	vshrl.u32 v18, $0x1;
	v18 =	vshll.u32 v18, $0x6  }
0x124: {  	[tilespmem:$0x6410] =	vst v54;
	v18 =	vand.u32 $0x40, v18  }
0x125: {  	[tilespmem:$0x6610] =	vst v18  }
0x126: {  	v18 =	vld.idx.msk [tilespmem:v19+s2+$0x0], $0xffff;
	_ =	sdelay $0x2  }
0x127: {  	v19 =	vadd.s32 v4, v17;
	_ =	sdelay $0x1  }
0x128: {  	v55 =	vshrl.u32 v18, $0x1;
	v18 =	vshll.u32 v18, $0x6  }
0x129: {  	[tilespmem:$0x6420] =	vst v55;
	v18 =	vand.u32 $0x40, v18  }
0x12a: {  	[tilespmem:$0x6620] =	vst v18  }
0x12b: {  	v18 =	vld.idx.msk [tilespmem:v19+s2+$0x0], $0xffff;
	_ =	sdelay $0x2  }
0x12c: {  	v19 =	vadd.s32 v5, v17;
	_ =	sdelay $0x1  }
0x12d: {  	v56 =	vshrl.u32 v18, $0x1;
	v18 =	vshll.u32 v18, $0x6  }
0x12e: {  	[tilespmem:$0x6430] =	vst v56;
	v18 =	vand.u32 $0x40, v18  }
0x12f: {  	[tilespmem:$0x6630] =	vst v18  }
0x130: {  	v18 =	vld.idx.msk [tilespmem:v19+s2+$0x0], $0xffff;
	_ =	sdelay $0x2  }
0x131: {  	v19 =	vadd.s32 v6, v17;
	_ =	sdelay $0x1  }
0x132: {  	v57 =	vshrl.u32 v18, $0x1;
	v18 =	vshll.u32 v18, $0x6  }
0x133: {  	[tilespmem:$0x6440] =	vst v57;
	v18 =	vand.u32 $0x40, v18  }
0x134: {  	[tilespmem:$0x6640] =	vst v18  }
0x135: {  	v18 =	vld.idx.msk [tilespmem:v19+s2+$0x0], $0xffff;
	_ =	sdelay $0x2  }
0x136: {  	v19 =	vadd.s32 v7, v17;
	_ =	sdelay $0x1  }
0x137: {  	v58 =	vshrl.u32 v18, $0x1;
	v18 =	vshll.u32 v18, $0x6  }
0x138: {  	[tilespmem:$0x6450] =	vst v58;
	v18 =	vand.u32 $0x40, v18  }
0x139: {  	[tilespmem:$0x6650] =	vst v18  }
0x13a: {  	v18 =	vld.idx.msk [tilespmem:v19+s2+$0x0], $0xffff;
	_ =	sdelay $0x2  }
0x13b: {  	v19 =	vadd.s32 v8, v17;
	_ =	sdelay $0x1  }
0x13c: {  	v59 =	vshrl.u32 v18, $0x1;
	v18 =	vshll.u32 v18, $0x6  }
0x13d: {  	[tilespmem:$0x6460] =	vst v59;
	v18 =	vand.u32 $0x40, v18  }
0x13e: {  	[tilespmem:$0x6660] =	vst v18  }
0x13f: {  	v18 =	vld.idx.msk [tilespmem:v19+s2+$0x0], $0xffff;
	_ =	sdelay $0x2  }
0x140: {  	v19 =	vadd.s32 v9, v17;
	_ =	sdelay $0x1  }
0x141: {  	v60 =	vshrl.u32 v18, $0x1;
	v18 =	vshll.u32 v18, $0x6  }
0x142: {  	[tilespmem:$0x6470] =	vst v60;
	v18 =	vand.u32 $0x40, v18  }
0x143: {  	[tilespmem:$0x6670] =	vst v18  }
0x144: {  	v18 =	vld.idx.msk [tilespmem:v19+s2+$0x0], $0xffff;
	_ =	sdelay $0x2  }
0x145: {  	v19 =	vadd.s32 v10, v17;
	_ =	sdelay $0x1  }
0x146: {  	v61 =	vshrl.u32 v18, $0x1;
	v18 =	vshll.u32 v18, $0x6  }
0x147: {  	[tilespmem:$0x6480] =	vst v61;
	v18 =	vand.u32 $0x40, v18  }
0x148: {  	[tilespmem:$0x6680] =	vst v18  }
0x149: {  	v18 =	vld.idx.msk [tilespmem:v19+s2+$0x0], $0xffff;
	_ =	sdelay $0x2  }
0x14a: {  	v19 =	vadd.s32 v11, v17;
	_ =	sdelay $0x1  }
0x14b: {  	v62 =	vshrl.u32 v18, $0x1;
	v18 =	vshll.u32 v18, $0x6  }
0x14c: {  	[tilespmem:$0x6490] =	vst v62;
	v18 =	vand.u32 $0x40, v18  }
0x14d: {  	[tilespmem:$0x6690] =	vst v18  }
0x14e: {  	v18 =	vld.idx.msk [tilespmem:v19+s2+$0x0], $0xffff;
	_ =	sdelay $0x2  }
0x14f: {  	v19 =	vadd.s32 v12, v17;
	_ =	sdelay $0x1  }
0x150: {  	v63 =	vshrl.u32 v18, $0x1;
	v18 =	vshll.u32 v18, $0x6  }
0x151: {  	[tilespmem:$0x64A0] =	vst v63;
	v18 =	vand.u32 $0x40, v18  }
0x152: {  	[tilespmem:$0x66A0] =	vst v18  }
0x153: {  	v18 =	vld.idx.msk [tilespmem:v19+s2+$0x0], $0xffff;
	_ =	sdelay $0x2  }
0x154: {  	v17 =	vadd.s32 v13, v17;
	_ =	sdelay $0x1  }
0x155: {  	v19 =	vshrl.u32 v18, $0x1;
	v18 =	vshll.u32 v18, $0x6  }
0x156: {  	[tilespmem:$0x64B0] =	vst v19;
	v18 =	vand.u32 $0x40, v18  }
0x157: {  	[tilespmem:$0x66B0] =	vst v18  }
0x158: {  	v17 =	vld.idx.msk [tilespmem:v17+s2+$0x0], $0xffff;
	_ =	sdelay $0x4  }
0x159: {  	v18 =	vshrl.u32 v17, $0x1;
	v17 =	vshll.u32 v17, $0x6  }
0x15a: {  	[tilespmem:$0x64B8] =	vst v18;
	v17 =	vand.u32 $0x40, v17  }
0x15b: {  	[tilespmem:$0x66B8] =	vst v17  }
0x15c: {  	_ =	swait.ge [sflag:s22], $0x6400  }
0x15d: {  	[sflag:s22] =	ssyncset.done $0x0  }
0x15e: {  	[sflag:s22] =	ssyncadd.s32 $0xFFFF9C00  }
0x15f: {  	[tilespmem:s13], [sflag:$0x1] =	stream.indirect.gather [hbm4b:s3+s11], $0x80, s12, s11, $0xb8;
	[tilespmem:$0x1F800] =	vst v63  }
.LBB2_6:
0x160: {  	s0 =	simm.s32 $0x3  }
0x161: {  	s8 =	simm.s32 $0x6;
	v17 =	vmov s0  }
0x162: {  	s1 =	simm.s32 $0x7;
	v19 =	vmov s8  }
0x163: {  	_ =	swait.ge [sflag:s19], $0x6400;
	s9 =	simm.s32 $0x1;
	v20 =	vmov s1  }
0x164: {  	s31 =	simm.s32 $0x2;
	[sflag:s19] =	ssyncset.done $0x0;
	v26 =	vmov s9  }
0x165: {  	v27 =	vmov s31;
	[sflag:s19] =	ssyncadd.s32 $0xFFFF9C00  }
0x166: {  	s9 =	simm.s32 $0x5;
	v24 =	vld.idx.msk [tilespmem:v17+s20+$0x0], $0xffff  }
0x167: {  	s8 =	simm.s32 $0x4;
	s31 =	simm.s32 $0x0;
	v30 =	vmov s9;
	v21 =	vld.idx.msk [tilespmem:v19+s20+$0x0], $0xffff  }
0x168: {  	v29 =	vmov s8;
	v22 =	vshll.u32 v17, $0x7;
	v34 =	vmov s31;
	v25 =	vld.idx.msk [tilespmem:v20+s20+$0x0], $0xffff  }
0x169: {  	v18 =	vshll.u32 v27, $0x7;
	v23 =	vshll.u32 v20, $0x7;
	v28 =	vshll.u32 v30, $0x7;
	v31 =	vld.idx.msk [tilespmem:v26+s20+$0x0], $0xffff  }
0x16a: {  	v36 =	vshll.u32 v34, $0x7;
	v17 =	vshll.u32 v26, $0x7;
	v20 =	vshll.u32 v29, $0x7;
	v32 =	vld.idx.msk [tilespmem:v27+s20+$0x0], $0xffff  }
0x16b: {  	v19 =	vshll.u32 v19, $0x7;
	v33 =	vadd.s32 v15, v24;
	v35 =	vadd.s32 v0, v24  }
0x16c: {  	v42 =	vld.idx.msk [tilespmem:v30+s20+$0x0], $0xffff;
	v38 =	vadd.s32 v14, v24;
	v24 =	vadd.s32 v16, v24;
	v61 =	vadd.s32 v0, v21  }
0x16d: {  	v45 =	vld.idx.msk [tilespmem:v34+s20+$0x0], $0xffff;
	v39 =	vadd.s32 v15, v25;
	v44 =	vadd.s32 v14, v21;
	v63 =	vadd.s32 v0, v25  }
0x16e: {  	v47 =	vadd.s32 v14, v31;
	v48 =	vadd.s32 v15, v31;
	v49 =	vadd.s32 v15, v21  }
0x16f: {  	v58 =	vadd.s32 v14, v32;
	v27 =	vand.u32 $0xFFFFFF80, v33;
	v37 =	vand.u32 $0xFFFFFF80, v35  }
0x170: {  	v26 =	vand.u32 $0x7F, v35;
	v40 =	vand.u32 $0xFFFFFF80, v61;
	v41 =	vand.u32 $0xFFFFFF80, v39  }
0x171: {  	v35 =	vand.u32 $0x7F, v61;
	v59 =	vadd.s32 v0, v42;
	v50 =	vadd.s32 v14, v42  }
0x172: {  	v53 =	vadd.s32 v0, v45;
	v55 =	vadd.s32 v14, v45;
	v56 =	vand.u32 $0xFFFFFF80, v63  }
0x173: {  	v37 =	vadd.s32 v22, v37;
	v30 =	vadd.s32 v19, v40;
	v40 =	vand.u32 $0xFFFFFF80, v38  }
0x174: {  	v51 =	vand.u32 $0xFFFFFF80, v59;
	v52 =	vand.u32 $0xFFFFFF80, v50;
	v61 =	vand.u32 $0xFFFFFF80, v53  }
0x175: {  	v53 =	vand.u32 $0x7F, v53;
	v57 =	vand.u32 $0xFFFFFF80, v55;
	v55 =	vand.u32 $0x7F, v55  }
0x176: {  	v38 =	vand.u32 $0x7F, v38;
	v56 =	vadd.s32 v23, v56;
	v41 =	vadd.s32 v23, v41  }
0x177: {  	v50 =	vand.u32 $0x7F, v50;
	v37 =	vor.u32 v26, v37;
	v26 =	vadd.s32 v22, v27  }
0x178: {  	v43 =	vor.u32 v35, v30;
	v27 =	vadd.s32 v0, v32;
	v30 =	vadd.s32 v0, v31  }
0x179: {  	v60 =	vadd.s32 v28, v51;
	v51 =	vadd.s32 v36, v61;
	v57 =	vadd.s32 v36, v57  }
0x17a: {  	v40 =	vadd.s32 v22, v40;
	v35 =	vand.u32 $0x7F, v63;
	v52 =	vadd.s32 v28, v52  }
0x17b: {  	v31 =	vadd.s32 v16, v31;
	v62 =	vand.u32 $0xFFFFFF80, v27;
	v46 =	vand.u32 $0xFFFFFF80, v30  }
0x17c: {  	v30 =	vand.u32 $0x7F, v30;
	v51 =	vor.u32 v53, v51;
	v27 =	vand.u32 $0x7F, v27  }
0x17d: {  	v53 =	vadd.s32 v14, v25;
	v55 =	vor.u32 v55, v57;
	v46 =	vadd.s32 v17, v46  }
0x17e: {  	v57 =	vadd.s32 v15, v45;
	v56 =	vor.u32 v35, v56;
	v30 =	vor.u32 v30, v46  }
0x17f: {  	v50 =	vor.u32 v50, v52;
	v45 =	vadd.s32 v16, v45;
	v54 =	vadd.s32 v18, v62  }
0x180: {  	v62 =	vand.u32 $0xFFFFFF80, v58;
	v58 =	vand.u32 $0x7F, v58;
	v35 =	vand.u32 $0x7F, v57  }
0x181: {  	v52 =	vand.u32 $0x7F, v53;
	v46 =	vand.u32 $0x7F, v59;
	v59 =	vand.u32 $0xFFFFFF80, v53  }
0x182: {  	v34 =	vadd.s32 v18, v62;
	v46 =	vor.u32 v46, v60;
	v60 =	vand.u32 $0xFFFFFF80, v47  }
0x183: {  	v54 =	vor.u32 v27, v54;
	v47 =	vand.u32 $0x7F, v47;
	v60 =	vadd.s32 v17, v60;
	v30 =	vld.idx.msk [tilespmem:v30+s15+$0x0], $0xffff  }
0x184: {  	v53 =	vand.u32 $0x7F, v48;
	v62 =	vand.u32 $0xFFFFFF80, v45;
	v47 =	vor.u32 v47, v60;
	v51 =	vld.idx.msk [tilespmem:v51+s15+$0x0], $0xffff  }
0x185: {  	v27 =	vld.idx.msk [tilespmem:v29+s20+$0x0], $0xffff;
	v45 =	vand.u32 $0x7F, v45;
	v34 =	vor.u32 v58, v34;
	v58 =	vand.u32 $0xFFFFFF80, v57  }
0x186: {  	v59 =	vadd.s32 v23, v59;
	v58 =	vadd.s32 v36, v58;
	v37 =	vld.idx.msk [tilespmem:v37+s15+$0x0], $0xffff;
	v60 =	vadd.s32 v15, v32  }
0x187: {  	s28 =	simm.s32 $0x19600;
	v36 =	vadd.s32 v36, v62;
	v61 =	vand.u32 $0xFFFFFF80, v60;
	v29 =	vand.u32 $0x7F, v60  }
0x188: {  	v60 =	vand.u32 $0xFFFFFF80, v44;
	v44 =	vand.u32 $0x7F, v44;
	v57 =	vadd.s32 v18, v61;
	v46 =	vld.idx.msk [tilespmem:v46+s15+$0x0], $0xffff;
	[tilespmem:s28+$0xFFFFFE80] =	vst v30  }
0x189: {  	[tilespmem:s28+$0xFFFFFE00] =	vst v51;
	v51 =	vor.u32 v52, v59;
	v30 =	vor.u32 v29, v57;
	v29 =	vand.u32 $0x7F, v39;
	v63 =	vld.idx.msk [tilespmem:v47+s15+$0x0], $0xffff  }
0x18a: {  	v59 =	vadd.s32 v0, v27;
	v47 =	vor.u32 v35, v58;
	v35 =	vor.u32 v29, v41;
	v29 =	vld.idx.msk [tilespmem:v56+s15+$0x0], $0xffff  }
0x18b: {  	[tilespmem:s28+$0xFFFFFF80] =	vst v37;
	v37 =	vand.u32 $0x7F, v49;
	v52 =	vld.idx.msk [tilespmem:v55+s15+$0x0], $0xffff;
	v61 =	vand.u32 $0xFFFFFF80, v59;
	v55 =	vand.u32 $0x7F, v59  }
0x18c: {  	v39 =	vor.u32 v45, v36;
	v36 =	vld.idx.msk [tilespmem:v54+s15+$0x0], $0xffff;
	v54 =	vor.u32 v38, v40;
	v58 =	vand.u32 $0xFFFFFF80, v48  }
0x18d: {  	v57 =	vadd.s32 v16, v42;
	v42 =	vadd.s32 v15, v42;
	[tilespmem:s28+$0x80] =	vst v46;
	v41 =	vadd.s32 v17, v58  }
0x18e: {  	v43 =	vld.idx.msk [tilespmem:v43+s15+$0x0], $0xffff;
	v45 =	vand.u32 $0x7F, v33;
	v41 =	vor.u32 v53, v41;
	v53 =	vadd.s32 v20, v61;
	[tilespmem:s28+$0xFFFFFE90] =	vst v63  }
0x18f: {  	v48 =	vand.u32 $0x7F, v42;
	v46 =	vld.idx.msk [tilespmem:v50+s15+$0x0], $0xffff;
	v53 =	vor.u32 v55, v53;
	v63 =	vadd.s32 v19, v60;
	[tilespmem:s28+$0x180] =	vst v29  }
0x190: {  	v42 =	vand.u32 $0xFFFFFF80, v42;
	v56 =	vadd.s32 v14, v27;
	v51 =	vld.idx.msk [tilespmem:v51+s15+$0x0], $0xffff;
	v60 =	vor.u32 v44, v63  }
0x191: {  	v62 =	vand.u32 $0x7F, v57;
	v58 =	vadd.s32 v28, v42;
	v61 =	vand.u32 $0xFFFFFF80, v57;
	[tilespmem:s28+$0xFFFFFE10] =	vst v52;
	v42 =	vld.idx.msk [tilespmem:v54+s15+$0x0], $0xffff  }
0x192: {  	v59 =	vand.u32 $0xFFFFFF80, v56;
	v40 =	vor.u32 v48, v58;
	v28 =	vadd.s32 v28, v61;
	v44 =	vld.idx.msk [tilespmem:v47+s15+$0x0], $0xffff  }
0x193: {  	v38 =	vand.u32 $0x7F, v56;
	[tilespmem:s28+$0xFFFFFF00] =	vst v36;
	v36 =	vadd.s32 v16, v32;
	v33 =	vor.u32 v62, v28;
	v29 =	vld.idx.msk [tilespmem:v41+s15+$0x0], $0xffff  }
0x194: {  	[tilespmem:s28+$0x100] =	vst v43;
	v32 =	vand.u32 $0xFFFFFF80, v36;
	v63 =	vand.u32 $0xFFFFFF80, v49;
	v41 =	vadd.s32 v20, v59;
	v43 =	vld.idx.msk [tilespmem:v53+s15+$0x0], $0xffff  }
0x195: {  	s29 =	simm.s32 $0x8;
	s30 =	simm.s32 $0x19A00;
	v47 =	vand.u32 $0xFFFFFF80, v24;
	v41 =	vor.u32 v38, v41;
	v38 =	vadd.s32 v19, v63;
	v28 =	vld.idx.msk [tilespmem:v60+s15+$0x0], $0xffff;
	[tilespmem:s28+$0x190] =	vst v51  }
.LBB2_7:
0x196: {  	s1 =	sadd.s32 $0x1, s29  }
0x197: {  	s8 =	sadd.s32 $0x2, s29;
	s9 =	sadd.s32 $0x3, s29;
	v34 =	vld.idx.msk [tilespmem:v34+s15+$0x0], $0xffff;
	v47 =	vadd.s32 v22, v47;
	v48 =	vadd.s32 v15, v27;
	v25 =	vadd.s32 v16, v25;
	s0 =	smov.u32 s29  }
0x198: {  	v49 =	vmov s1;
	v50 =	vmov s8;
	v51 =	vmov s9;
	s1 =	sadd.s32 $0x4, s29;
	s8 =	sadd.s32 $0x5, s29;
	s9 =	sadd.s32 $0x6, s29;
	[tilespmem:s28+$0xFFFFFE20] =	vst v44  }
0x199: {  	p0 =	slt.u32 s29, $0xC0;
	s29 =	sadd.s32 $0x8, s29;
	v53 =	vand.u32 $0xFFFFFF80, v48;
	v44 =	vmov s1;
	v52 =	vmov s8;
	s1 =	sadd.s32 $0x7, s0;
	v39 =	vld.idx.msk [tilespmem:v39+s15+$0x0], $0xffff  }
0x19a: {  	v22 =	vshll.u32 v51, $0x7;
	v54 =	vmov s9;
	v55 =	vmov s1;
	[tilespmem:s28+$0x90] =	vst v46;
	v35 =	vld.idx.msk [tilespmem:v35+s15+$0x0], $0xffff  }
0x19b: {  	v26 =	vor.u32 v45, v26;
	v45 =	vand.u32 $0xFFFFFF80, v25;
	[tilespmem:s28+$0x0] =	vst v43;
	v43 =	vadd.s32 v20, v53;
	v40 =	vld.idx.msk [tilespmem:v40+s15+$0x0], $0xffff  }
0x19c: {  	v27 =	vadd.s32 v16, v27;
	v23 =	vadd.s32 v23, v45;
	v46 =	vand.u32 $0xFFFFFF80, v31;
	v41 =	vld.idx.msk [tilespmem:v41+s15+$0x0], $0xffff;
	[tilespmem:s28+$0x110] =	vst v28  }
0x19d: {  	v21 =	vadd.s32 v16, v21;
	v28 =	vld.idx.msk [tilespmem:v49+s20+$0x0], $0xffff;
	[tilespmem:s28+$0xFFFFFF10] =	vst v34;
	v34 =	vand.u32 $0xFFFFFF80, v27;
	v27 =	vand.u32 $0x7F, v27  }
0x19e: {  	v30 =	vld.idx.msk [tilespmem:v30+s15+$0x0], $0xffff;
	[tilespmem:s28+$0xFFFFFF90] =	vst v42;
	v42 =	vand.u32 $0x7F, v48;
	v34 =	vadd.s32 v20, v34;
	v20 =	vand.u32 $0xFFFFFF80, v21  }
0x19f: {  	v24 =	vand.u32 $0x7F, v24;
	v25 =	vand.u32 $0x7F, v25;
	v45 =	vld.idx.msk [tilespmem:v51+s20+$0x0], $0xffff;
	[tilespmem:s28+$0xFFFFFE30] =	vst v39;
	v39 =	vor.u32 v42, v43  }
0x1a0: {  	v21 =	vand.u32 $0x7F, v21;
	v42 =	vor.u32 v24, v47;
	v43 =	vor.u32 v25, v23;
	v26 =	vld.idx.msk [tilespmem:v26+s15+$0x0], $0xffff;
	[tilespmem:s28+$0x1A0] =	vst v35  }
0x1a1: {  	v37 =	vor.u32 v37, v38;
	v24 =	vand.u32 $0x7F, v36;
	v19 =	vadd.s32 v19, v20;
	v25 =	vld.idx.msk [tilespmem:v55+s20+$0x0], $0xffff;
	[tilespmem:s28+$0xA0] =	vst v40  }
0x1a2: {  	v38 =	vshll.u32 v49, $0x7;
	v20 =	vshll.u32 v50, $0x7;
	[tilespmem:s28+$0x10] =	vst v41;
	v40 =	vld.idx.msk [tilespmem:v33+s15+$0x0], $0xffff;
	v41 =	vor.u32 v21, v19  }
0x1a3: {  	v23 =	vshll.u32 v55, $0x7;
	v47 =	vand.u32 $0x7F, v31;
	v19 =	vadd.s32 v18, v32;
	v18 =	vmovc v20;
	v21 =	vld.idx.msk [tilespmem:v54+s20+$0x0], $0xffff  }
0x1a4: {  	v48 =	vmov s0;
	v32 =	vshll.u32 v52, $0x7;
	v31 =	vld.idx.msk [tilespmem:v50+s20+$0x0], $0xffff;
	[tilespmem:s28+$0xFFFFFF20] =	vst v30;
	v30 =	vor.u32 v24, v19  }
0x1a5: {  	v20 =	vshll.u32 v44, $0x7;
	v33 =	vadd.s32 v15, v45;
	v19 =	vshll.u32 v54, $0x7;
	v35 =	vld.idx.msk [tilespmem:v52+s20+$0x0], $0xffff  }
0x1a6: {  	v36 =	vshll.u32 v48, $0x7;
	v24 =	vadd.s32 v0, v45;
	v49 =	vand.u32 $0xFFFFFF80, v33;
	[tilespmem:s28+$0xFFFFFFA0] =	vst v26;
	v37 =	vld.idx.msk [tilespmem:v37+s15+$0x0], $0xffff  }
0x1a7: {  	v46 =	vadd.s32 v17, v46;
	v17 =	vmovc v38;
	v50 =	vadd.s32 v14, v45;
	v26 =	vand.u32 $0xFFFFFF80, v24;
	v39 =	vld.idx.msk [tilespmem:v39+s15+$0x0], $0xffff  }
0x1a8: {  	v34 =	vor.u32 v27, v34;
	v38 =	vand.u32 $0x7F, v24;
	v24 =	vadd.s32 v16, v45;
	v42 =	vld.idx.msk [tilespmem:v42+s15+$0x0], $0xffff;
	[tilespmem:s28+$0xB0] =	vst v40  }
0x1a9: {  	v46 =	vor.u32 v47, v46;
	v45 =	vadd.s32 v15, v25;
	v40 =	vadd.s32 v0, v21;
	v43 =	vld.idx.msk [tilespmem:v43+s15+$0x0], $0xffff  }
0x1aa: {  	v26 =	vadd.s32 v22, v26;
	v51 =	vand.u32 $0xFFFFFF80, v45;
	v47 =	vand.u32 $0xFFFFFF80, v40;
	[tilespmem:s28+$0xFFFFFEA0] =	vst v29;
	v30 =	vld.idx.msk [tilespmem:v30+s15+$0x0], $0xffff  }
0x1ab: {  	v29 =	vor.u32 v38, v26;
	v38 =	vand.u32 $0x7F, v40;
	v40 =	vadd.s32 v19, v47;
	v27 =	vld.idx.msk [tilespmem:v44+s20+$0x0], $0xffff  }
0x1ac: {  	v47 =	vand.u32 $0xFFFFFF80, v50;
	v26 =	vadd.s32 v22, v49;
	v40 =	vor.u32 v38, v40;
	v44 =	vld.idx.msk [tilespmem:v48+s20+$0x0], $0xffff;
	[tilespmem:s28+$0x120] =	vst v37  }
0x1ad: {  	v38 =	vadd.s32 v14, v21;
	v48 =	vadd.s32 v0, v31;
	[tilespmem:s28+$0x20] =	vst v39;
	v39 =	vld.idx.msk [tilespmem:v41+s15+$0x0], $0xffff  }
0x1ae: {  	v49 =	vadd.s32 v0, v25;
	v37 =	vadd.s32 v0, v28;
	v41 =	vand.u32 $0xFFFFFF80, v48;
	[tilespmem:s28+$0xFFFFFFB0] =	vst v42;
	v34 =	vld.idx.msk [tilespmem:v34+s15+$0x0], $0xffff  }
0x1af: {  	v53 =	vadd.s32 v15, v28;
	v52 =	vadd.s32 v14, v28;
	v42 =	vand.u32 $0xFFFFFF80, v37;
	v46 =	vld.idx.msk [tilespmem:v46+s15+$0x0], $0xffff;
	[tilespmem:s28+$0x1B0] =	vst v43  }
0x1b0: {  	v43 =	vand.u32 $0x7F, v37;
	v42 =	vadd.s32 v17, v42;
	v37 =	vadd.s32 v15, v21;
	[tilespmem:s28+$0xFFFFFF30] =	vst v30  }
0x1b1: {  	v30 =	vor.u32 v43, v42;
	v42 =	vadd.s32 v0, v35;
	v43 =	vadd.s32 v14, v35  }
0x1b2: {  	v54 =	vand.u32 $0xFFFFFF80, v42;
	v42 =	vand.u32 $0x7F, v42;
	v55 =	vand.u32 $0xFFFFFF80, v43  }
0x1b3: {  	v41 =	vadd.s32 v18, v41;
	v56 =	vadd.s32 v0, v44;
	v54 =	vadd.s32 v32, v54;
	[tilespmem:s28+$0x130] =	vst v39  }
0x1b4: {  	v58 =	vand.u32 $0xFFFFFF80, v49;
	v57 =	vadd.s32 v14, v44;
	v39 =	vand.u32 $0xFFFFFF80, v56;
	[tilespmem:s28+$0x30] =	vst v34  }
0x1b5: {  	v34 =	vand.u32 $0x7F, v56;
	v39 =	vadd.s32 v36, v39;
	v56 =	vand.u32 $0xFFFFFF80, v57;
	[tilespmem:s28+$0xFFFFFEB0] =	vst v46;
	s28 =	smov.u32 s30  }
0x1b6: {  	v34 =	vor.u32 v34, v39;
	v39 =	vand.u32 $0x7F, v48;
	v46 =	vadd.s32 v14, v25  }
0x1b7: {  	v50 =	vand.u32 $0x7F, v50;
	v48 =	vand.u32 $0x7F, v57;
	v57 =	vadd.s32 v23, v58  }
0x1b8: {  	v56 =	vadd.s32 v36, v56;
	v58 =	vadd.s32 v14, v31;
	v59 =	vand.u32 $0xFFFFFF80, v46  }
0x1b9: {  	v42 =	vor.u32 v42, v54;
	v48 =	vor.u32 v48, v56;
	v56 =	vand.u32 $0xFFFFFF80, v58  }
0x1ba: {  	v47 =	vadd.s32 v22, v47;
	v49 =	vand.u32 $0x7F, v49;
	v54 =	vadd.s32 v18, v56  }
0x1bb: {  	v51 =	vadd.s32 v23, v51;
	v60 =	vadd.s32 v15, v44;
	v59 =	vadd.s32 v23, v59;
	v56 =	vld.idx.msk [tilespmem:v34+s15+$0x0], $0xffff  }
0x1bc: {  	v58 =	vand.u32 $0x7F, v58;
	v34 =	vand.u32 $0xFFFFFF80, v52;
	v52 =	vand.u32 $0x7F, v52;
	v30 =	vld.idx.msk [tilespmem:v30+s15+$0x0], $0xffff  }
0x1bd: {  	v43 =	vand.u32 $0x7F, v43;
	v61 =	vadd.s32 v17, v34;
	v34 =	vor.u32 v58, v54  }
0x1be: {  	v54 =	vand.u32 $0xFFFFFF80, v60;
	v58 =	vadd.s32 v15, v31;
	v52 =	vor.u32 v52, v61  }
0x1bf: {  	v49 =	vor.u32 v49, v57;
	v54 =	vadd.s32 v36, v54;
	v61 =	vand.u32 $0xFFFFFF80, v58  }
0x1c0: {  	v57 =	vand.u32 $0x7F, v60;
	v41 =	vor.u32 v39, v41;
	v39 =	vadd.s32 v32, v55  }
0x1c1: {  	v55 =	vand.u32 $0x7F, v58;
	[tilespmem:s30+$0xFFFFFE00] =	vst v56;
	v56 =	vor.u32 v43, v39;
	v39 =	vand.u32 $0x7F, v46  }
0x1c2: {  	v43 =	vand.u32 $0x7F, v53;
	v46 =	vand.u32 $0xFFFFFF80, v38;
	[tilespmem:s30+$0xFFFFFE80] =	vst v30;
	v30 =	vadd.s32 v18, v61  }
0x1c3: {  	v45 =	vand.u32 $0x7F, v45;
	v52 =	vld.idx.msk [tilespmem:v52+s15+$0x0], $0xffff;
	v30 =	vor.u32 v55, v30;
	v55 =	vadd.s32 v16, v35  }
0x1c4: {  	v54 =	vor.u32 v57, v54;
	v57 =	vadd.s32 v15, v35;
	v35 =	vor.u32 v45, v51;
	v49 =	vld.idx.msk [tilespmem:v49+s15+$0x0], $0xffff  }
0x1c5: {  	v51 =	vand.u32 $0x7F, v57;
	v45 =	vld.idx.msk [tilespmem:v48+s15+$0x0], $0xffff;
	v48 =	vand.u32 $0xFFFFFF80, v53;
	v53 =	vor.u32 v39, v59  }
0x1c6: {  	v39 =	vadd.s32 v16, v44;
	v44 =	vadd.s32 v17, v48;
	v48 =	vadd.s32 v0, v27  }
0x1c7: {  	v43 =	vor.u32 v43, v44;
	v44 =	vand.u32 $0xFFFFFF80, v48;
	v48 =	vand.u32 $0x7F, v48;
	v58 =	vld.idx.msk [tilespmem:v40+s15+$0x0], $0xffff  }
0x1c8: {  	v40 =	vand.u32 $0xFFFFFF80, v39;
	v39 =	vand.u32 $0x7F, v39;
	v44 =	vadd.s32 v20, v44;
	v42 =	vld.idx.msk [tilespmem:v42+s15+$0x0], $0xffff  }
0x1c9: {  	v38 =	vand.u32 $0x7F, v38;
	v36 =	vadd.s32 v36, v40;
	[tilespmem:s30+$0xFFFFFE90] =	vst v52;
	v52 =	vld.idx.msk [tilespmem:v29+s15+$0x0], $0xffff;
	v48 =	vor.u32 v48, v44  }
0x1ca: {  	v39 =	vor.u32 v39, v36;
	v29 =	vand.u32 $0xFFFFFF80, v57;
	v36 =	vld.idx.msk [tilespmem:v41+s15+$0x0], $0xffff;
	v41 =	vadd.s32 v19, v46;
	[tilespmem:s30+$0x180] =	vst v49  }
0x1cb: {  	v47 =	vor.u32 v50, v47;
	v46 =	vadd.s32 v14, v27;
	v40 =	vadd.s32 v32, v29;
	v49 =	vld.idx.msk [tilespmem:v53+s15+$0x0], $0xffff  }
0x1cc: {  	v40 =	vor.u32 v51, v40;
	v50 =	vor.u32 v38, v41;
	[tilespmem:s30+$0xFFFFFE10] =	vst v45;
	v29 =	vld.idx.msk [tilespmem:v43+s15+$0x0], $0xffff;
	v43 =	vand.u32 $0xFFFFFF80, v46  }
.Ltmp2:
0x1cd: {  	v38 =	vand.u32 $0x7F, v46;
	v51 =	vand.u32 $0xFFFFFF80, v55;
	v44 =	vld.idx.msk [tilespmem:v54+s15+$0x0], $0xffff;
	v41 =	vadd.s32 v20, v43;
	[tilespmem:s30+$0x100] =	vst v58;
	(pc) =	sbr.rel @p0 .LBB2_7-.Ltmp2, $4  }
0x1ce: {  	v43 =	vld.idx.msk [tilespmem:v48+s15+$0x0], $0xffff;
	v41 =	vor.u32 v38, v41;
	[tilespmem:s30+$0x80] =	vst v42;
	v48 =	vand.u32 $0x7F, v55;
	v38 =	vand.u32 $0xFFFFFF80, v37  }
0x1cf: {  	v45 =	vand.u32 $0x7F, v33;
	v32 =	vadd.s32 v32, v51;
	[tilespmem:s30+$0xFFFFFF80] =	vst v52;
	v46 =	vld.idx.msk [tilespmem:v56+s15+$0x0], $0xffff;
	v38 =	vadd.s32 v19, v38  }
0x1d0: {  	v33 =	vor.u32 v48, v32;
	[tilespmem:s30+$0xFFFFFF00] =	vst v36;
	v36 =	vadd.s32 v16, v31;
	v42 =	vld.idx.msk [tilespmem:v47+s15+$0x0], $0xffff;
	v47 =	vand.u32 $0xFFFFFF80, v24  }
0x1d1: {  	v37 =	vand.u32 $0x7F, v37;
	v31 =	vadd.s32 v16, v28;
	s30 =	sadd.s32 $0x400, s30;
	v32 =	vand.u32 $0xFFFFFF80, v36;
	v28 =	vld.idx.msk [tilespmem:v50+s15+$0x0], $0xffff;
	[tilespmem:s28+$0x190] =	vst v49  }
0x1d2: {  	_ =	sdelay $0x2  }
0x1d3: {  	[tilespmem:s28+$0xFFFFFE20] =	vst v44;
	v49 =	vadd.s32 v15, v27;
	v26 =	vor.u32 v45, v26  }
0x1d4: {  	v34 =	vld.idx.msk [tilespmem:v34+s15+$0x0], $0xffff;
	v25 =	vadd.s32 v16, v25;
	v22 =	vadd.s32 v22, v47;
	v53 =	vand.u32 $0xFFFFFF80, v31;
	[tilespmem:s28+$0xFFFFFEA0] =	vst v29  }
0x1d5: {  	v35 =	vld.idx.msk [tilespmem:v35+s15+$0x0], $0xffff;
	v37 =	vor.u32 v37, v38;
	v55 =	vadd.s32 v16, v27;
	v63 =	vand.u32 $0x7F, v31;
	[tilespmem:s28+$0x0] =	vst v43  }
0x1d6: {  	v39 =	vld.idx.msk [tilespmem:v39+s15+$0x0], $0xffff;
	v50 =	vand.u32 $0xFFFFFF80, v49;
	v52 =	vand.u32 $0xFFFFFF80, v25;
	v17 =	vadd.s32 v17, v53;
	[tilespmem:s28+$0x90] =	vst v46  }
0x1d7: {  	v54 =	vand.u32 $0x7F, v49;
	v51 =	vadd.s32 v20, v50;
	v41 =	vld.idx.msk [tilespmem:v41+s15+$0x0], $0xffff;
	v17 =	vor.u32 v63, v17;
	[tilespmem:s28+$0xFFFFFF90] =	vst v42  }
0x1d8: {  	v25 =	vand.u32 $0x7F, v25;
	v23 =	vadd.s32 v23, v52;
	v40 =	vld.idx.msk [tilespmem:v40+s15+$0x0], $0xffff;
	[tilespmem:s28+$0x110] =	vst v28;
	v28 =	vor.u32 v54, v51  }
0x1d9: {  	v21 =	vadd.s32 v16, v21;
	v23 =	vor.u32 v25, v23;
	[tilespmem:s28+$0xFFFFFF10] =	vst v34;
	v26 =	vld.idx.msk [tilespmem:v26+s15+$0x0], $0xffff  }
0x1da: {  	v24 =	vand.u32 $0x7F, v24;
	v58 =	vand.u32 $0x7F, v36;
	v57 =	vand.u32 $0xFFFFFF80, v21;
	v60 =	vld.idx.msk [tilespmem:v37+s15+$0x0], $0xffff;
	[tilespmem:s28+$0x1A0] =	vst v35  }
0x1db: {  	v22 =	vor.u32 v24, v22;
	v21 =	vand.u32 $0x7F, v21;
	v19 =	vadd.s32 v19, v57;
	v30 =	vld.idx.msk [tilespmem:v30+s15+$0x0], $0xffff;
	[tilespmem:s28+$0xFFFFFE30] =	vst v39  }
0x1dc: {  	v18 =	vadd.s32 v18, v32;
	v56 =	vand.u32 $0xFFFFFF80, v55;
	v19 =	vor.u32 v21, v19;
	[tilespmem:s28+$0x10] =	vst v41;
	v17 =	vld.idx.msk [tilespmem:v17+s15+$0x0], $0xffff  }
0x1dd: {  	v18 =	vor.u32 v58, v18;
	v27 =	vand.u32 $0x7F, v55;
	v61 =	vadd.s32 v20, v56;
	[tilespmem:s28+$0xA0] =	vst v40;
	v62 =	vld.idx.msk [tilespmem:v28+s15+$0x0], $0xffff  }
0x1de: {  	v20 =	vor.u32 v27, v61;
	v23 =	vld.idx.msk [tilespmem:v23+s15+$0x0], $0xffff;
	[tilespmem:s28+$0xFFFFFFA0] =	vst v26  }
0x1df: {  	v59 =	vld.idx.msk [tilespmem:v33+s15+$0x0], $0xffff;
	[tilespmem:s28+$0x120] =	vst v60  }
0x1e0: {  	[tilespmem:s28+$0xFFFFFF20] =	vst v30;
	v22 =	vld.idx.msk [tilespmem:v22+s15+$0x0], $0xffff  }
0x1e1: {  	v19 =	vld.idx.msk [tilespmem:v19+s15+$0x0], $0xffff;
	[tilespmem:s28+$0xFFFFFEB0] =	vst v17  }
0x1e2: {  	v18 =	vld.idx.msk [tilespmem:v18+s15+$0x0], $0xffff;
	[tilespmem:s28+$0x20] =	vst v62  }
0x1e3: {  	s25 =	sadd.s32 $0x1, s25;
	[tilespmem:s28+$0x1B0] =	vst v23;
	v20 =	vld.idx.msk [tilespmem:v20+s15+$0x0], $0xffff  }
0x1e4: {  	p0 =	sne.s32 s25, $0x40;
	[tilespmem:s28+$0xB0] =	vst v59  }
.Ltmp3:
0x1e5: {  	s0 =	sadd.s32 s4, s26;
	[tilespmem:s28+$0xFFFFFFB0] =	vst v22;
	(pc) =	sbr.rel @p0 .LBB2_2-.Ltmp3, $4  }
0x1e6: {  	s0 =	smul.u32 $0xC80, s0;
	[tilespmem:s28+$0x130] =	vst v19  }
0x1e7: {  	[tilespmem:s28+$0xFFFFFF30] =	vst v18  }
0x1e8: {  	s0 =	sadd.s32 s5, s0;
	[tilespmem:s28+$0x30] =	vst v20  }
0x1e9: {  	[hbm4b:s0+s2] =	stream.linear.scatter [tilespmem:s21], [sflag:$0x4], $0x6400, $0x38;
	[tilespmem:$0x1F800] =	vst v63  }
0x1ea: {  	s24 =	sadd.s32 $0x1, s24  }
0x1eb: {  	_ =	swait.ge [sflag:s22], $0x6400;
	p0 =	sne.s32 s24, s7  }
.Ltmp4:
0x1ec: {  	[sflag:s22] =	ssyncset.done $0x0;
	(pc) =	sbr.rel @p0 .LBB2_1-.Ltmp4, $4  }
0x1ed: {  	[sflag:s22] =	ssyncadd.s32 $0xFFFF9C00  }
0x1ee: {  	_ =	swait.ge [sflag:s23], $0x6400  }
0x1ef: {  	[sflag:s23] =	ssyncset.done $0x0  }
0x1f0: {  	[sflag:s23] =	ssyncadd.s32 $0xFFFF9C00  }
0x1f1: {  	_ =	sfence.sel $0x180000  }
0x1f2: {  	[bflag:$0x0] =	sbarrier.arrive $0xFFFF  }
0x1f3: {  	_ =	strace $0x90000047  }
0x1f4: {  	s0 =	stileid.u32;
	[bflag:$0x2] =	sbarrier.arrive $0xFFFF  }
0x1f5: {  	p0 =	sne.s32 s0, $0x0;
	s0 =	rddreg [dreg:$0x2]  }
0x1f6: {  	s0 =	sadd.s32 @!p0 $0x100000, s0  }
0x1f7: {  	[sflag:s0] =	ssyncadd.tile.s32 @!p0 $0x1;
	_ =	shalt  }
.Lfunc_end2:
_tile_overlayer_lowered:
.L_overlay_start_2:
0x1f8: {  	(tag) =	ssettag $0x2  }
0x1f9: {  	s0 =	rddreg [dreg:$0x0];
	s2 =	stileid.u32  }
0x1fa: {  	s1 =	rddreg [dreg:$0x1];
	p0 =	sne.s32 s2, $0x0  }
0x1fb: {  	s3 =	rddreg [dreg:$0x2];
	[bflag:$0x3] =	sbarrier.arrive $0xFFFF;
	s2 =	simm.s32 @!p0 $0x1C05  }
0x1fc: {  	[timem:s3], [sflag:s2] =	dma.local @!p0 [hbm:s0], s1  }
0x1fd: {  	s0 =	simm.s32 @!p0 $0x5  }
0x1fe: {  	_ =	swait.ge @!p0 [sflag:s0], s1  }
0x1ff: {  	s1 =	ssub.s32 @!p0 $0x0, s1;
	[sflag:s0] =	ssyncset.done @!p0 $0x0  }
0x200: {  	[sflag:s0] =	ssyncadd.s32 @!p0 s1  }
0x201: {  	[bflag:$0x3] =	sbarrier.arrive $0xFFFF  }
0x202: {  	_ =	shalt  }

// kernel: sparse-core-data-format-call.cloned.1.call-start
scs
called_computation_lowered:
.L_overlay_start_0:
0x0: {  	s2 =	sld [smem:$0x3FD9]  }
0x1: {  	s3 =	sld [smem:$0x3FFE];
	_ =	sdelay $0x1  }
0x2: {  	s1 =	srdreg.scid  }
0x3: {  	s0 =	sand.u32 $0x1, s1  }
0x4: {  	s18 =	sshll.u32 s0, $0xA;
	s2 =	sadd.s32 s3, s2  }
0x5: {  	s2 =	sadd.s32 s2, s18  }
0x6: {  	[smem:$0x3FC6] =	sst s2  }
0x7: {  	_ = 	snop  }
0x8: {  	s2 =	sld [smem:$0x3FD0];
	(tm) =	ssettm $0x1  }
0x9: {  	s19 =	sld [smem:$0x3FFB];
	_ =	sdelay $0x3  }
0xa: {  	_ =	strace s19  }
0xb: {  	s3 =	sld [smem:$0x3FFC];
	_ =	sdelay $0x3  }
0xc: {  	_ =	strace s3  }
0xd: {  	s3 =	sld [smem:$0x3FFD];
	_ =	sdelay $0x3  }
0xe: {  	_ =	strace s3  }
0xf: {  	_ =	strace $0x8FFFFFFF  }
0x10: {  	s20 =	sld [smem:$0x3FDB];
	_ =	sdelay $0x1  }
0x11: {  	s4 =	simm.s32 $_scs_section_size  }
0x12: {  	s5 =	simm.s32 $_size__tile_overlayer_lowered;
	s6 =	simm.s32 $_tile_overlayer_lowered  }
0x13: {  	s23 =	simm.s32 $0x1BFF;
	s22 =	sshll.u32 s6, $0x1;
	s3 =	sadd.s32 s4, s20  }
0x14: {  	s7 =	simm.s32 $0x0;
	s21 =	sshll.u32 s5, $0x1;
	s5 =	sadd.s32 s22, s3  }
0x15: {  	[timem:s7], [sflag:s23] =	dma.local [hbm:s5], s21  }
0x16: {  	_ =	swait.ge [sflag:s23], s21  }
0x17: {  	s4 =	ssub.s32 $0x0, s21;
	[sflag:s23] =	ssyncset.done $0x0  }
0x18: {  	[sflag:s23] =	ssyncadd.s32 s4;
	_ =	sdelay $0x1  }
0x19: {  	s24 =	simm.s32 $0x1B8B  }
0x1a: {  	_ =	swait.ge [sflag:s24], $0x1  }
0x1b: {  	[sflag:s24] =	ssyncset.done $0x0  }
0x1c: {  	s26 =	simm.s32 $0x1B8E;
	s25 =	sld [smem:$0x3FFE];
	[sflag:s24] =	ssyncadd.s32 $0xFFFFFFFF  }
0x1d: {  	s27 =	simm.s32 $execute0_lowered;
	[smem:$0x3FD2] =	sst s26  }
0x1e: {  	s5 =	sshll.u32 s27, $0x1;
	_ =	strace $0x80000049;
	[dreg:$0x1] =	wrdreg $0xFFFFFFFF  }
0x1f: {  	s28 =	simm.s32 $_size_execute0_lowered;
	s3 =	sadd.s32 s3, s5;
	[dreg:$0x0] =	wrdreg $0x0  }
0x20: {  	s5 =	sshll.u32 s28, $0x1;
	[dreg:$0x2] =	wrdreg s3  }
0x21: {  	[dreg:$0x3] =	wrdreg s5  }
0x22: {  	[dreg:$0x4] =	wrdreg $0xC0  }
0x23: {  	_ =	task [dreg:s7], $0x5FFFF  }
0x24: {  	[dreg:$0x1] =	wrdreg $0xFFFFFFFF  }
0x25: {  	[dreg:$0x0] =	wrdreg $0x60  }
0x26: {  	[dreg:$0x2] =	wrdreg s25  }
0x27: {  	[dreg:$0x3] =	wrdreg s2  }
0x28: {  	[dreg:$0x4] =	wrdreg $0x9  }
0x29: {  	_ =	task.clear_ibuf [dreg:s7], $0x5FFFF;
	_ =	strace $0x90000049  }
0x2a: {  	s29 =	simm.s32 $0x9;
	_ =	strace $0x8000004B  }
0x2b: {  	_ =	swait.ge [sflag:s29], $0x1  }
0x2c: {  	[sflag:s29] =	ssyncadd.s32 $0xFFFFFFFF  }
0x2d: {  	_ =	strace $0x9000004B  }
0x2e: {  	_ =	sfence  }
0x2f: {  	s30 =	sld [smem:$0x0];
	_ =	sdelay $0x2  }
0x30: {  	s31 =	sshll.u32 s1, $0xD;
	s1 =	sshrl.u32 s1, $0x2  }
0x31: {  	s3 =	sand.u32 $0x4000, s31;
	s1 =	sadd.s32 s1, s30  }
0x32: {  	s0 =	sor.u32 s3, s0;
	s1 =	sshll.u32 s1, $0x11  }
0x33: {  	s0 =	sor.u32 s1, s0  }
0x34: {  	s0 =	sadd.s32 $0x8F2B, s0  }
0x35: {  	[sflag:s0] =	ssyncadd.remote.s32 $0x1  }
0x36: {  	_ =	sfence.sel $0xFFFF  }
0x37: {  	[dreg:$0x0] =	wrdreg $0xFFFFFFFF;
	(pc) =	sbr.abs _section_cstart, $3  }
0x38: {  	[dreg:$0x1] =	wrdreg $0xFFFFFFFF  }
0x39: {  	_ =	task.clear_ibuf [dreg:s7], $0x2FFFF;
	_ =	strace $0x9FFFFFFF  }
0x3a: {  	(tm) =	ssettm $0x7FFFFFFF  }
0x3b: {  	_ =	shalt  }
tec
execute0_lowered:
.L_overlay_start_1:
0x0: {  	(tag) =	ssettag $0x1  }
0x1: {  	s0 =	srdreg.scid  }
0x2: {  	s1 =	sshll.u32 s0, $0x4  }
0x3: {  	s0 =	stileid.u32;
	s1 =	sand.u32 $0x10, s1  }
0x4: {  	s1 =	sor.u32 s0, s1  }
0x5: {  	s6 =	rddreg [dreg:$0x0];
	s4 =	simm.s32 $0x1;
	s2 =	sshll.u32 s1, $0x7  }
0x6: {  	s7 =	simm.s32 $0x2;
	s12 =	simm.s32 $0x0;
	s1 =	ssub.s32 $0x1000, s2  }
0x7: {  	s8 =	simm.s32 $0x8000;
	s13 =	simm.s32 $0x0;
	s3 =	sand.u32 $0xF80, s1  }
0x8: {  	s9 =	simm.s32 $0x0;
	s5 =	sshrl.u32 s1, $0xC;
	p0 =	sne.s32 s3, $0x0  }
.Ltmp0:
0x9: {  	s1 =	rddreg [dreg:$0x2];
	s4 =	simm.s32 @!p0 $0x0;
	(pc) =	sbr.rel .LBB1_1-.Ltmp0, $4  }
0xa: {  	s11 =	simm.s32 $0x0;
	s3 =	rddreg [dreg:$0x1];
	s5 =	sadd.s32 s4, s5  }
0xb: {  	_ =	strace $0x8000004A;
	s4 =	simm.s32 $0x1;
	s5 =	smul.u32 $0xC8, s5  }
0xc: {  	s6 =	sadd.s32 $0x800, s6;
	s10 =	smov.u32 s2;
	[sflag:s4] =	ssyncpa.u1 $0x0  }
0xd: {  	p0 =	por $0x0, $0x0;
	[sflag:s7] =	ssyncpa.u1 $0x0;
	s7 =	sor.u32 $0x1, s5  }
.LBB1_4:
0xe: {  	s16 =	sshll.u32 s13, $0x3;
	s17 =	sand.u32 $0x78, s13  }
0xf: {  	s30 =	sand.u32 $0x7E00, s13;
	s12 =	sshll.u32 s12, $0xF;
	s16 =	sand.u32 $0xC00, s16  }
0x10: {  	[tilespmem:s15+$0x810 ss:$0x81] =	vst.msk $0xffff, v2;
	s31 =	sand.u32 $0x7, s13;
	s16 =	sor.u32 s17, s16;
	s17 =	sadd.s32 s3, s30  }
0x11: {  	[tilespmem:s15+$0x1020 ss:$0x81] =	vst.msk $0xffff, v0;
	s13 =	sshll.u32 s31, $0x12;
	s12 =	sadd.s32 s12, s17;
	s16 =	sshrl.u32 s16, $0x3  }
0x12: {  	[tilespmem:s15+$0x0 ss:$0x81] =	vst.msk $0xffff, v1;
	s13 =	sor.u32 $0x400, s13;
	s12 =	sadd.s32 s16, s12  }
0x13: {  	[hbm4b:s12+s13] =	stream.strided.scatter [tilespmem:s14], [sflag:$0x2], $0x2000, s8, s13, $0x20;
	[tilespmem:$0x8080] =	vst v63  }
.LBB1_5:
0x14: {  	s14 =	sadd.s32 $0x1, s9  }
0x15: {  	s12 =	sadd.s32 $0x1000, s10;
	s16 =	smov.u32 s10;
	p2 =	sgt.s32 s14, $0xC7  }
0x16: {  	s16 =	smov.u32 @p2 s12  }
0x17: {  	s14 =	simm.s32 @p2 $0x0;
	p2 =	sgt.s32 s16, $0xFFF  }
0x18: {  	s16 =	smov.u32 @p2 s2;
	p2 =	sne.s32 s11, s7  }
.Ltmp1:
0x19: {  	p1 =	slt.u32 s11, $0x2;
	(pc) =	sbr.rel @!p2 .LBB1_6-.Ltmp1, $4  }
0x1a: {  	s15 =	simm.s32 @!p1 $0x2  }
0x1b: {  	s13 =	smov.u32 s10;
	p0 =	por !p0, !p0;
	_ =	swait.ge @!p1 [sflag:s15], $0x2000  }
0x1c: {  	s12 =	smov.u32 s9;
	[sflag:s15] =	ssyncset.done @!p1 $0x0;
	s9 =	smov.u32 s14  }
0x1d: {  	s11 =	sadd.s32 $0x1, s11;
	[sflag:s15] =	ssyncadd.s32 @!p1 $0xFFFFE000;
	s10 =	smov.u32 s16  }
.LBB1_1:
0x1e: {  	p1 =	sge.u32 s11, s5  }
0x1f: {  	s14 =	sand.u32 @!p1 $0x1FFFFFF, s9  }
0x20: {  	s15 =	smulhi.u32 @!p1 $0x147AE15, s14;
	_ =	sdelay $0x1  }
0x21: {  	s15 =	smul.u32 @!p1 $0xC8, s15  }
0x22: {  	s16 =	sxor.u32 @!p1 $0xFFFFFFFF, s11;
	s17 =	smul.u32 @!p1 $0xC80, s10  }
0x23: {  	s31 =	sadd.s32 $0xFFFFFFFF, s11;
	s16 =	sshll.u32 @!p1 s16, $0xD;
	s14 =	ssub.s32 @!p1 s14, s15  }
0x24: {  	s15 =	sand.u32 @!p1 $0x2000, s16;
	s16 =	sadd.s32 @!p1 s6, s17;
	s14 =	sshll.u32 @!p1 s14, $0x4  }
0x25: {  	s17 =	simm.s32 @!p1 $0x6400;
	s14 =	sadd.s32 @!p1 s14, s16;
	s16 =	simm.s32 @!p1 $0x40  }
0x26: {  	[tilespmem:s15], [sflag:$0x1] =	stream.strided.gather @!p1 [hbm4b:s14+s16], $0x2000, s17, s16, $0x38;
	[tilespmem:$0x8080] =	vst v63  }
0x27: {  	p1 =	sge.u32 s31, s5  }
.Ltmp2:
0x28: {  	_ = 	snop;
	(pc) =	sbr.rel @p1 .LBB1_5-.Ltmp2, $1  }
0x29: {  	_ =	sdelay $0x3  }
0x2a: {  	s14 =	simm.s32 $0x1  }
0x2b: {  	_ =	swait.ge [sflag:s4], $0x2000;
	s14 =	simm.s32 @!p0 $0x0  }
0x2c: {  	[sflag:s4] =	ssyncset.done $0x0;
	s15 =	sshll.u32 s14, $0xD  }
0x2d: {  	[sflag:s4] =	ssyncadd.s32 $0xFFFFE000;
	s18 =	sor.u32 $0x20, s15  }
0x2e: {  	s14 =	smul.u32 $0x8100, s14;
	v3 =	vld [tilespmem:s18+$0x10]  }
0x2f: {  	s30 =	sand.u32 $0x1, s11;
	v2 =	vld [tilespmem:s18+$0xFFFFFFF0]  }
0x30: {  	s15 =	smul.u32 $0x8100, s30;
	s14 =	sshrl.u32 s14, $0x2;
	v0 =	vld [tilespmem:s18+$0x0]  }
0x31: {  	v1 =	vld [tilespmem:s18+$0xFFFFFFE0];
	s16 =	sor.u32 $0x4000, s14  }
0x32: {  	s31 =	sshrl.u32 s15, $0x2;
	s15 =	sadd.s32 $0x0, s16  }
0x33: {  	s17 =	simm.s32 $0x4;
	s18 =	sadd.s32 $0x40, s18;
	s14 =	sor.u32 $0x4000, s31;
	[tilespmem:s15+$0x1830 ss:$0x81] =	vst.msk $0xffff, v3  }
.LBB1_3:
0x34: {  	v3 =	vld [tilespmem:s18+$0x10];
	p1 =	sne.s32 s17, $0x1FC;
	[tilespmem:s15+$0x810 ss:$0x81] =	vst.msk $0xffff, v2;
	s19 =	smov.u32 s17;
	s17 =	sadd.s32 $0x4, s17  }
.Ltmp3:
0x35: {  	v2 =	vld [tilespmem:s18+$0xFFFFFFF0];
	[tilespmem:s15+$0x1020 ss:$0x81] =	vst.msk $0xffff, v0;
	(pc) =	sbr.rel @p1 .LBB1_3-.Ltmp3, $4  }
0x36: {  	v0 =	vld [tilespmem:s18+$0x0];
	[tilespmem:s15+$0x0 ss:$0x81] =	vst.msk $0xffff, v1  }
0x37: {  	s15 =	sshra.s32 s19, $0x2;
	v1 =	vld [tilespmem:s18+$0xFFFFFFE0]  }
0x38: {  	s15 =	sadd.s32 s15, s16  }
0x39: {  	s18 =	sadd.s32 $0x40, s18;
	[tilespmem:s15+$0x1830 ss:$0x81] =	vst.msk $0xffff, v3  }
.Ltmp4:
0x3a: {  	_ = 	snop;
	(pc) =	sbr.rel .LBB1_4-.Ltmp4, $1  }
0x3b: {  	_ =	sdelay $0x3  }
.LBB1_6:
0x3c: {  	_ =	sfence.sel $0x180000  }
0x3d: {  	s2 =	simm.s32 $0x1;
	[bflag:$0x0] =	sbarrier.arrive $0xFFFF  }
0x3e: {  	s31 =	simm.s32 $0x2;
	[sflag:s2] =	ssyncpa.u1 $0x1  }
0x3f: {  	[sflag:s31] =	ssyncpa.u1 $0x1  }
0x40: {  	p0 =	sne.s32 s0, $0x0;
	_ =	strace $0x9000004A  }
0x41: {  	s0 =	sadd.s32 @!p0 $0x100000, s1;
	[bflag:$0x2] =	sbarrier.arrive $0xFFFF  }
0x42: {  	[sflag:s0] =	ssyncadd.tile.s32 @!p0 $0x1;
	_ =	shalt  }
.Lfunc_end1:
_tile_overlayer_lowered:
.L_overlay_start_2:
0x43: {  	(tag) =	ssettag $0x2  }
0x44: {  	s0 =	rddreg [dreg:$0x0];
	s2 =	stileid.u32  }
0x45: {  	s1 =	rddreg [dreg:$0x1];
	p0 =	sne.s32 s2, $0x0  }
0x46: {  	s3 =	rddreg [dreg:$0x2];
	[bflag:$0x3] =	sbarrier.arrive $0xFFFF;
	s2 =	simm.s32 @!p0 $0x1C01  }
0x47: {  	[timem:s3], [sflag:s2] =	dma.local @!p0 [hbm:s0], s1  }
0x48: {  	s0 =	simm.s32 @!p0 $0x1  }
0x49: {  	_ =	swait.ge @!p0 [sflag:s0], s1  }
0x4a: {  	s1 =	ssub.s32 @!p0 $0x0, s1;
	[sflag:s0] =	ssyncset.done @!p0 $0x0  }
0x4b: {  	[sflag:s0] =	ssyncadd.s32 @!p0 s1  }
0x4c: {  	[bflag:$0x3] =	sbarrier.arrive $0xFFFF  }
0x4d: {  	_ =	shalt  }

</sc_bundles>
